<compile_context>
chip_gen: v7x
topology: tpu7x:2x2x1
jax: 0.10.2.dev20260603
libtpu: 0.0.44.dev20260713+nightly
codegen_flags: <defaults>
</compile_context>

<pallas_src>
import functools

import jax
import jax.numpy as jnp
from jax import lax
from jax.experimental import pallas as pl
from jax.experimental.pallas import tpu as pltpu
from jax.experimental.pallas import tpu_sc as plsc

N_NODES = 10000
N_EDGES = 640000
N_PAD = 10240
NC = 2
NS = 16
NW = NC * NS
CHUNK = N_EDGES // NW
DCHUNK = N_EDGES // NS
L = 16
SLICE = N_PAD // NS
UNROLL_A = 10
UNROLL_C = 10

_mesh = plsc.VectorSubcoreMesh(core_axis_name="c", subcore_axis_name="s")
_sc_params = pltpu.CompilerParams(needs_layout_passes=False)


def _newton_rsqrt(x):
    i = plsc.bitcast(x, jnp.int32)
    i = 0x5F3759DF - lax.shift_right_logical(i, 1)
    y = plsc.bitcast(i, jnp.float32)
    half = x * -0.5
    for _ in range(3):
        y = y * (y * y * half + 1.5)
    return y


@functools.partial(
    pl.kernel,
    out_type=jax.ShapeDtypeStruct((NC, N_PAD), jnp.float32),
    mesh=_mesh,
    scratch_types=[
        pltpu.VMEM((DCHUNK,), jnp.int32),
        pltpu.VMEM((CHUNK,), jnp.int32),
        pltpu.VMEM((N_PAD,), jnp.float32),
        pltpu.VMEM((N_PAD,), jnp.float32),
        pltpu.VMEM((N_PAD,), jnp.float32),
        pltpu.VMEM((NS, SLICE), jnp.float32),
        pltpu.VMEM((NS, SLICE), jnp.float32),
        pltpu.VMEM_SHARED((NS, N_PAD), jnp.float32),
        pltpu.VMEM_SHARED((N_PAD,), jnp.float32),
        pltpu.SemaphoreType.DMA,
        pltpu.SemaphoreType.DMA,
    ],
    compiler_params=_sc_params,
)
def _sc_edges(ei_hbm, c_hbm, row_v, col_v, deg_v, s_v, sl_v, part_v, part2_v,
              degsh, dissh, sem, sem2):
    cid = lax.axis_index("c")
    sid = lax.axis_index("s")
    wid = sid * NC + cid
    cp_r = pltpu.async_copy(ei_hbm.at[pl.ds(sid * DCHUNK, DCHUNK)], row_v, sem)
    cp_c = pltpu.async_copy(
        ei_hbm.at[pl.ds(N_EDGES + wid * CHUNK, CHUNK)], col_v, sem2)

    zeros = jnp.zeros((L,), jnp.float32)

    def zero_body(i, carry):
        for u in range(8):
            deg_v[pl.ds((i * 8 + u) * L, L)] = zeros
            s_v[pl.ds((i * 8 + u) * L, L)] = zeros
            sl_v[pl.ds((i * 8 + u) * L, L)] = zeros
        return carry

    lax.fori_loop(0, N_PAD // L // 8, zero_body, 0)
    cp_r.wait()

    ones = jnp.ones((L,), jnp.float32)

    def deg_body(i, carry):
        rs = [row_v[pl.ds((i * UNROLL_A + u) * L, L)] for u in range(UNROLL_A)]
        for u in range(UNROLL_A):
            plsc.addupdate_scatter(deg_v, [rs[u]], ones)
        return carry

    lax.fori_loop(0, DCHUNK // L // UNROLL_A, deg_body, 0)

    pltpu.sync_copy(deg_v, degsh.at[sid])
    plsc.subcore_barrier()
    col0 = sid * SLICE
    pltpu.sync_copy(degsh.at[:, pl.ds(col0, SLICE)], part_v)

    def red_body(j, carry):
        acc = part_v[0, pl.ds(j * L, L)]
        for t in range(1, NS):
            acc = acc + part_v[t, pl.ds(j * L, L)]
        dis = _newton_rsqrt(acc)
        dis = jnp.where(acc > 0.0, dis, 0.0)
        deg_v[pl.ds(col0 + j * L, L)] = dis
        return carry

    lax.fori_loop(0, SLICE // L, red_body, 0)

    pltpu.sync_copy(deg_v.at[pl.ds(col0, SLICE)], dissh.at[pl.ds(col0, SLICE)])
    plsc.subcore_barrier()
    pltpu.sync_copy(dissh, deg_v)
    cp_c.wait()

    cbase = cid * CHUNK

    def s_body(i, carry):
        rs = []
        cs = []
        gs = []
        for u in range(UNROLL_C):
            off = (i * UNROLL_C + u) * L
            rs.append(row_v[pl.ds(cbase + off, L)])
            cs.append(col_v[pl.ds(off, L)])
            gs.append(plsc.load_gather(deg_v, [cs[u]]))
        for u in range(UNROLL_C):
            plsc.addupdate_scatter(s_v, [rs[u]], gs[u])
            plsc.addupdate_scatter(sl_v, [rs[u]], ones, mask=rs[u] == cs[u])
        return carry

    lax.fori_loop(0, CHUNK // L // UNROLL_C, s_body, 0)

    pltpu.sync_copy(s_v, degsh.at[sid])
    plsc.subcore_barrier()
    pltpu.sync_copy(degsh.at[:, pl.ds(col0, SLICE)], part_v)
    plsc.subcore_barrier()
    pltpu.sync_copy(sl_v, degsh.at[sid])
    plsc.subcore_barrier()
    pltpu.sync_copy(degsh.at[:, pl.ds(col0, SLICE)], part2_v)

    def c_body(j, carry):
        s_acc = part_v[0, pl.ds(j * L, L)]
        sl_acc = part2_v[0, pl.ds(j * L, L)]
        for t in range(1, NS):
            s_acc = s_acc + part_v[t, pl.ds(j * L, L)]
            sl_acc = sl_acc + part2_v[t, pl.ds(j * L, L)]
        dis = deg_v[pl.ds(col0 + j * L, L)]
        s_v[pl.ds(col0 + j * L, L)] = -(dis * s_acc) - sl_acc
        return carry

    lax.fori_loop(0, SLICE // L, c_body, 0)

    pltpu.sync_copy(s_v.at[pl.ds(col0, SLICE)],
                    c_hbm.at[cid, pl.ds(col0, SLICE)])


_TC_GRID = 5
_TC_BLK = N_NODES // _TC_GRID


def _tc_final_body(x_ref, c_ref, w0_ref, w1_ref, b_ref, out_ref, v_scr):
    i = pl.program_id(0)

    @pl.when(i == 0)
    def _():
        v_scr[...] = jnp.zeros_like(v_scr)

    x_blk = x_ref[...]
    c_blk = c_ref[...]
    v_scr[0:1, :] += jnp.sum(x_blk, axis=0, keepdims=True)
    v_scr[1:3, :] += lax.dot_general(
        c_blk, x_blk, (((0,), (0,)), ((), ())),
        preferred_element_type=jnp.float32)

    @pl.when(i == _TC_GRID - 1)
    def _():
        v = v_scr[...]
        v1 = v[1:2] + v[2:3]
        out_ref[...] = (
            jnp.dot(v[0:1], w0_ref[...], preferred_element_type=jnp.float32)
            + jnp.dot(v1, w1_ref[...], preferred_element_type=jnp.float32)
        ) * (1.0 / N_NODES) + b_ref[...]


@jax.jit
def kernel(x, edge_index, W0, W1, b):
    in_dim = W0.shape[0]
    out_dim = W0.shape[1]

    ei_flat = edge_index.reshape(2 * N_EDGES)
    c_p = _sc_edges(ei_flat)
    c_t = c_p[:, :N_NODES].T

    out = pl.pallas_call(
        _tc_final_body,
        grid=(_TC_GRID,),
        in_specs=[
            pl.BlockSpec((_TC_BLK, in_dim), lambda i: (i, 0)),
            pl.BlockSpec((_TC_BLK, NC), lambda i: (i, 0)),
            pl.BlockSpec((in_dim, out_dim), lambda i: (0, 0)),
            pl.BlockSpec((in_dim, out_dim), lambda i: (0, 0)),
            pl.BlockSpec((1, out_dim), lambda i: (0, 0)),
        ],
        out_specs=pl.BlockSpec((1, out_dim), lambda i: (0, 0)),
        out_shape=jax.ShapeDtypeStruct((1, out_dim), jnp.float32),
        scratch_shapes=[pltpu.VMEM((3, in_dim), jnp.float32)],
    )(x, c_t, W0, W1, b.reshape(1, out_dim))
    return out

# --- scband reference (transcript-rebuilt; emitter-appended) ---
"""Pipeline reference for scband-cheb-conv-wrapper-75900662055247 (READ-ONLY COPY).

The authoritative reference and input builder live on the scoring server;
editing this copy changes nothing except your own understanding.
"""

import jax, jax.numpy as jnp
import numpy as np

N_NODES = 10000
N_EDGES = 640000
IN_DIM = 100
OUT_DIM = 200


def setup_inputs(seed: int = 0) -> dict:
    key = jax.random.key(seed)
    k1, k2, k3, k4, k5 = jax.random.split(key, 5)
    x = jax.random.normal(k1, (N_NODES, IN_DIM), dtype=jnp.float32)
    edge_index = jax.random.randint(k2, (2, N_EDGES), 0, N_NODES, dtype=jnp.int32)
    s = 1.0 / np.sqrt(IN_DIM)
    W0 = jax.random.uniform(k3, (IN_DIM, OUT_DIM), minval=-s, maxval=s, dtype=jnp.float32)
    W1 = jax.random.uniform(k4, (IN_DIM, OUT_DIM), minval=-s, maxval=s, dtype=jnp.float32)
    b = jax.random.uniform(k5, (OUT_DIM,), minval=-s, maxval=s, dtype=jnp.float32)
    return {"x": x, "edge_index": edge_index, "W0": W0, "W1": W1, "b": b}


def reference(x, edge_index, W0, W1, b):
    # Faithful PyG ChebConv(K=2, normalization='sym', lambda_max=2.0) followed by mean over nodes.
    N = x.shape[0]
    row = edge_index[0]  # source j
    col = edge_index[1]  # target i
    ew = jnp.ones(row.shape[0], dtype=x.dtype)
    # degree over source index (as in get_laplacian)
    deg = jnp.zeros((N,), dtype=x.dtype).at[row].add(ew)
    deg_inv_sqrt = jnp.where(deg > 0, jax.lax.rsqrt(jnp.maximum(deg, 1e-12)), 0.0)
    # L = I - D^{-1/2} A D^{-1/2}; off-diagonal part weights:
    w = -deg_inv_sqrt[row] * ew * deg_inv_sqrt[col]
    # scale by 2/lambda_max = 1 (lambda_max defaults to 2.0), then subtract 1 on self-loop edges.
    # Appended identity self-loops get weight 1 - 1 = 0 and are omitted;
    # original edges that happen to be self-loops get the -1 correction:
    w = jnp.where(row == col, w - 1.0, w)
    Tx0 = x
    Tx1 = jnp.zeros_like(x).at[col].add(w[:, None] * x[row])
    out = Tx0 @ W0 + Tx1 @ W1 + b
    out = jnp.mean(out, axis=0, keepdims=True)
    return out

if __name__ == "__main__":
    import jax
    _d = setup_inputs()
    print(jax.jit(kernel)(*tuple(_d.values())))

</pallas_src>

<mosaic_0001>
#map = affine_map<(d0, d1) -> (0)>
#map1 = affine_map<(d0, d1) -> (0, 0)>
module attributes {stable_mosaic.version = 14 : i64} {
  func.func @_sc_edges(%arg0: i32, %arg1: i32, %arg2: memref<1280000xi32, #tpu.memory_space<hbm>>, %arg3: memref<2x10240xf32, #tpu.memory_space<hbm>>, %arg4: memref<40000xi32, #tpu.memory_space<vmem>>, %arg5: memref<20000xi32, #tpu.memory_space<vmem>>, %arg6: memref<10240xf32, #tpu.memory_space<vmem>>, %arg7: memref<10240xf32, #tpu.memory_space<vmem>>, %arg8: memref<10240xf32, #tpu.memory_space<vmem>>, %arg9: memref<16x640xf32, #tpu.memory_space<vmem>>, %arg10: memref<16x640xf32, #tpu.memory_space<vmem>>, %arg11: memref<16x10240xf32, #tpu.memory_space<vmem_shared>>, %arg12: memref<10240xf32, #tpu.memory_space<vmem_shared>>, %arg13: memref<!tpu.dma_semaphore, #tpu.memory_space<semaphore_mem>>, %arg14: memref<!tpu.dma_semaphore, #tpu.memory_space<semaphore_mem>>) attributes {dimension_semantics = [#tpu.dimension_semantics<core_parallel>, #tpu.dimension_semantics<subcore_parallel>], iteration_bounds = array<i64: 2, 16>, scalar_prefetch = 0 : i64, scratch_operands = 11 : i64, tpu.core_type = #tpu.core_type<sc_vector_subcore>, window_params = [{transform_indices = #map}, {transform_indices = #map1}]} {
    %mul3A = arith.constant 2 : i32
    %mul3A_0 = arith.muli %arg1, %mul3A : i32
    %add3A = arith.addi %mul3A_0, %arg0 : i32
    %mul3A_1 = arith.constant 40000 : i32
    %mul3A_2 = arith.muli %arg1, %mul3A_1 : i32
    %dma_start3A = tpu.memref_slice %arg2[%mul3A_2] : memref<1280000xi32, #tpu.memory_space<hbm>> -> memref<40000xi32, #tpu.memory_space<hbm>>
    %dma_start3A_3 = tpu.memref_slice %arg2[%mul3A_2] : memref<1280000xi32, #tpu.memory_space<hbm>> -> memref<40000xi32, #tpu.memory_space<hbm>>
    tpu.enqueue_dma source(%dma_start3A_3 : memref<40000xi32, #tpu.memory_space<hbm>>) target(%arg4 : memref<40000xi32, #tpu.memory_space<vmem>>) target_semaphore(%arg13 : memref<!tpu.dma_semaphore, #tpu.memory_space<semaphore_mem>>)
    %mul3A_4 = arith.constant 20000 : i32
    %mul3A_5 = arith.muli %add3A, %mul3A_4 : i32
    %add3A_6 = arith.constant 640000 : i32
    %add3A_7 = arith.addi %add3A_6, %mul3A_5 : i32
    %dma_start3A_8 = tpu.memref_slice %arg2[%add3A_7] : memref<1280000xi32, #tpu.memory_space<hbm>> -> memref<20000xi32, #tpu.memory_space<hbm>>
    %dma_start3A_9 = tpu.memref_slice %arg2[%add3A_7] : memref<1280000xi32, #tpu.memory_space<hbm>> -> memref<20000xi32, #tpu.memory_space<hbm>>
    tpu.enqueue_dma source(%dma_start3A_9 : memref<20000xi32, #tpu.memory_space<hbm>>) target(%arg5 : memref<20000xi32, #tpu.memory_space<vmem>>) target_semaphore(%arg14 : memref<!tpu.dma_semaphore, #tpu.memory_space<semaphore_mem>>)
    %broadcast_in_dim3A = arith.constant 0.000000e+00 : f32
    %broadcast_in_dim3A_10 = vector.broadcast %broadcast_in_dim3A : f32 to vector<16xf32>
    %scan3A = arith.constant 0 : i32
    %scan3A_11 = arith.constant 0 : i32
    %scan3A_12 = arith.constant 80 : i32
    %scan3A_13 = arith.addi %scan3A_11, %scan3A_12 : i32
    %scan3A_14 = arith.constant 1 : i32
    scf.for %scan3A_53 = %scan3A_11 to %scan3A_13 step %scan3A_14  : i32 {
      %mul3A_54 = arith.constant 8 : i32
      %mul3A_55 = arith.muli %scan3A_53, %mul3A_54 : i32
      %add3A_56 = arith.constant 0 : i32
      %add3A_57 = arith.addi %mul3A_55, %add3A_56 : i32
      %mul3A_58 = arith.constant 16 : i32
      %mul3A_59 = arith.muli %add3A_57, %mul3A_58 : i32
      %swap3A = arith.index_cast %mul3A_59 : i32 to index
      %swap3A_60 = tpu.vector_load %arg6[%swap3A] {strides = array<i32>} : memref<10240xf32, #tpu.memory_space<vmem>>, vector<16xf32>,
      tpu.vector_store %arg6[%swap3A], %broadcast_in_dim3A_10 {strides = array<i32>} : memref<10240xf32, #tpu.memory_space<vmem>>, vector<16xf32>,
      %mul3A_61 = arith.constant 8 : i32
      %mul3A_62 = arith.muli %scan3A_53, %mul3A_61 : i32
      %add3A_63 = arith.constant 0 : i32
      %add3A_64 = arith.addi %mul3A_62, %add3A_63 : i32
      %mul3A_65 = arith.constant 16 : i32
      %mul3A_66 = arith.muli %add3A_64, %mul3A_65 : i32
      %swap3A_67 = arith.index_cast %mul3A_66 : i32 to index
      %swap3A_68 = tpu.vector_load %arg7[%swap3A_67] {strides = array<i32>} : memref<10240xf32, #tpu.memory_space<vmem>>, vector<16xf32>,
      tpu.vector_store %arg7[%swap3A_67], %broadcast_in_dim3A_10 {strides = array<i32>} : memref<10240xf32, #tpu.memory_space<vmem>>, vector<16xf32>,
      %mul3A_69 = arith.constant 8 : i32
      %mul3A_70 = arith.muli %scan3A_53, %mul3A_69 : i32
      %add3A_71 = arith.constant 0 : i32
      %add3A_72 = arith.addi %mul3A_70, %add3A_71 : i32
      %mul3A_73 = arith.constant 16 : i32
      %mul3A_74 = arith.muli %add3A_72, %mul3A_73 : i32
      %swap3A_75 = arith.index_cast %mul3A_74 : i32 to index
      %swap3A_76 = tpu.vector_load %arg8[%swap3A_75] {strides = array<i32>} : memref<10240xf32, #tpu.memory_space<vmem>>, vector<16xf32>,
      tpu.vector_store %arg8[%swap3A_75], %broadcast_in_dim3A_10 {strides = array<i32>} : memref<10240xf32, #tpu.memory_space<vmem>>, vector<16xf32>,
      %mul3A_77 = arith.constant 8 : i32
      %mul3A_78 = arith.muli %scan3A_53, %mul3A_77 : i32
      %add3A_79 = arith.constant 1 : i32
      %add3A_80 = arith.addi %mul3A_78, %add3A_79 : i32
      %mul3A_81 = arith.constant 16 : i32
      %mul3A_82 = arith.muli %add3A_80, %mul3A_81 : i32
      %swap3A_83 = arith.index_cast %mul3A_82 : i32 to index
      %swap3A_84 = tpu.vector_load %arg6[%swap3A_83] {strides = array<i32>} : memref<10240xf32, #tpu.memory_space<vmem>>, vector<16xf32>,
      tpu.vector_store %arg6[%swap3A_83], %broadcast_in_dim3A_10 {strides = array<i32>} : memref<10240xf32, #tpu.memory_space<vmem>>, vector<16xf32>,
      %mul3A_85 = arith.constant 8 : i32
      %mul3A_86 = arith.muli %scan3A_53, %mul3A_85 : i32
      %add3A_87 = arith.constant 1 : i32
      %add3A_88 = arith.addi %mul3A_86, %add3A_87 : i32
      %mul3A_89 = arith.constant 16 : i32
      %mul3A_90 = arith.muli %add3A_88, %mul3A_89 : i32
      %swap3A_91 = arith.index_cast %mul3A_90 : i32 to index
      %swap3A_92 = tpu.vector_load %arg7[%swap3A_91] {strides = array<i32>} : memref<10240xf32, #tpu.memory_space<vmem>>, vector<16xf32>,
      tpu.vector_store %arg7[%swap3A_91], %broadcast_in_dim3A_10 {strides = array<i32>} : memref<10240xf32, #tpu.memory_space<vmem>>, vector<16xf32>,
      %mul3A_93 = arith.constant 8 : i32
      %mul3A_94 = arith.muli %scan3A_53, %mul3A_93 : i32
      %add3A_95 = arith.constant 1 : i32
      %add3A_96 = arith.addi %mul3A_94, %add3A_95 : i32
      %mul3A_97 = arith.constant 16 : i32
      %mul3A_98 = arith.muli %add3A_96, %mul3A_97 : i32
      %swap3A_99 = arith.index_cast %mul3A_98 : i32 to index
      %swap3A_100 = tpu.vector_load %arg8[%swap3A_99] {strides = array<i32>} : memref<10240xf32, #tpu.memory_space<vmem>>, vector<16xf32>,
      tpu.vector_store %arg8[%swap3A_99], %broadcast_in_dim3A_10 {strides = array<i32>} : memref<10240xf32, #tpu.memory_space<vmem>>, vector<16xf32>,
      %mul3A_101 = arith.constant 8 : i32
      %mul3A_102 = arith.muli %scan3A_53, %mul3A_101 : i32
      %add3A_103 = arith.constant 2 : i32
      %add3A_104 = arith.addi %mul3A_102, %add3A_103 : i32
      %mul3A_105 = arith.constant 16 : i32
      %mul3A_106 = arith.muli %add3A_104, %mul3A_105 : i32
      %swap3A_107 = arith.index_cast %mul3A_106 : i32 to index
      %swap3A_108 = tpu.vector_load %arg6[%swap3A_107] {strides = array<i32>} : memref<10240xf32, #tpu.memory_space<vmem>>, vector<16xf32>,
      tpu.vector_store %arg6[%swap3A_107], %broadcast_in_dim3A_10 {strides = array<i32>} : memref<10240xf32, #tpu.memory_space<vmem>>, vector<16xf32>,
      %mul3A_109 = arith.constant 8 : i32
      %mul3A_110 = arith.muli %scan3A_53, %mul3A_109 : i32
      %add3A_111 = arith.constant 2 : i32
      %add3A_112 = arith.addi %mul3A_110, %add3A_111 : i32
      %mul3A_113 = arith.constant 16 : i32
      %mul3A_114 = arith.muli %add3A_112, %mul3A_113 : i32
      %swap3A_115 = arith.index_cast %mul3A_114 : i32 to index
      %swap3A_116 = tpu.vector_load %arg7[%swap3A_115] {strides = array<i32>} : memref<10240xf32, #tpu.memory_space<vmem>>, vector<16xf32>,
      tpu.vector_store %arg7[%swap3A_115], %broadcast_in_dim3A_10 {strides = array<i32>} : memref<10240xf32, #tpu.memory_space<vmem>>, vector<16xf32>,
      %mul3A_117 = arith.constant 8 : i32
      %mul3A_118 = arith.muli %scan3A_53, %mul3A_117 : i32
      %add3A_119 = arith.constant 2 : i32
      %add3A_120 = arith.addi %mul3A_118, %add3A_119 : i32
      %mul3A_121 = arith.constant 16 : i32
      %mul3A_122 = arith.muli %add3A_120, %mul3A_121 : i32
      %swap3A_123 = arith.index_cast %mul3A_122 : i32 to index
      %swap3A_124 = tpu.vector_load %arg8[%swap3A_123] {strides = array<i32>} : memref<10240xf32, #tpu.memory_space<vmem>>, vector<16xf32>,
      tpu.vector_store %arg8[%swap3A_123], %broadcast_in_dim3A_10 {strides = array<i32>} : memref<10240xf32, #tpu.memory_space<vmem>>, vector<16xf32>,
      %mul3A_125 = arith.constant 8 : i32
      %mul3A_126 = arith.muli %scan3A_53, %mul3A_125 : i32
      %add3A_127 = arith.constant 3 : i32
      %add3A_128 = arith.addi %mul3A_126, %add3A_127 : i32
      %mul3A_129 = arith.constant 16 : i32
      %mul3A_130 = arith.muli %add3A_128, %mul3A_129 : i32
      %swap3A_131 = arith.index_cast %mul3A_130 : i32 to index
      %swap3A_132 = tpu.vector_load %arg6[%swap3A_131] {strides = array<i32>} : memref<10240xf32, #tpu.memory_space<vmem>>, vector<16xf32>,
      tpu.vector_store %arg6[%swap3A_131], %broadcast_in_dim3A_10 {strides = array<i32>} : memref<10240xf32, #tpu.memory_space<vmem>>, vector<16xf32>,
      %mul3A_133 = arith.constant 8 : i32
      %mul3A_134 = arith.muli %scan3A_53, %mul3A_133 : i32
      %add3A_135 = arith.constant 3 : i32
      %add3A_136 = arith.addi %mul3A_134, %add3A_135 : i32
      %mul3A_137 = arith.constant 16 : i32
      %mul3A_138 = arith.muli %add3A_136, %mul3A_137 : i32
      %swap3A_139 = arith.index_cast %mul3A_138 : i32 to index
      %swap3A_140 = tpu.vector_load %arg7[%swap3A_139] {strides = array<i32>} : memref<10240xf32, #tpu.memory_space<vmem>>, vector<16xf32>,
      tpu.vector_store %arg7[%swap3A_139], %broadcast_in_dim3A_10 {strides = array<i32>} : memref<10240xf32, #tpu.memory_space<vmem>>, vector<16xf32>,
      %mul3A_141 = arith.constant 8 : i32
      %mul3A_142 = arith.muli %scan3A_53, %mul3A_141 : i32
      %add3A_143 = arith.constant 3 : i32
      %add3A_144 = arith.addi %mul3A_142, %add3A_143 : i32
      %mul3A_145 = arith.constant 16 : i32
      %mul3A_146 = arith.muli %add3A_144, %mul3A_145 : i32
      %swap3A_147 = arith.index_cast %mul3A_146 : i32 to index
      %swap3A_148 = tpu.vector_load %arg8[%swap3A_147] {strides = array<i32>} : memref<10240xf32, #tpu.memory_space<vmem>>, vector<16xf32>,
      tpu.vector_store %arg8[%swap3A_147], %broadcast_in_dim3A_10 {strides = array<i32>} : memref<10240xf32, #tpu.memory_space<vmem>>, vector<16xf32>,
      %mul3A_149 = arith.constant 8 : i32
      %mul3A_150 = arith.muli %scan3A_53, %mul3A_149 : i32
      %add3A_151 = arith.constant 4 : i32
      %add3A_152 = arith.addi %mul3A_150, %add3A_151 : i32
      %mul3A_153 = arith.constant 16 : i32
      %mul3A_154 = arith.muli %add3A_152, %mul3A_153 : i32
      %swap3A_155 = arith.index_cast %mul3A_154 : i32 to index
      %swap3A_156 = tpu.vector_load %arg6[%swap3A_155] {strides = array<i32>} : memref<10240xf32, #tpu.memory_space<vmem>>, vector<16xf32>,
      tpu.vector_store %arg6[%swap3A_155], %broadcast_in_dim3A_10 {strides = array<i32>} : memref<10240xf32, #tpu.memory_space<vmem>>, vector<16xf32>,
      %mul3A_157 = arith.constant 8 : i32
      %mul3A_158 = arith.muli %scan3A_53, %mul3A_157 : i32
      %add3A_159 = arith.constant 4 : i32
      %add3A_160 = arith.addi %mul3A_158, %add3A_159 : i32
      %mul3A_161 = arith.constant 16 : i32
      %mul3A_162 = arith.muli %add3A_160, %mul3A_161 : i32
      %swap3A_163 = arith.index_cast %mul3A_162 : i32 to index
      %swap3A_164 = tpu.vector_load %arg7[%swap3A_163] {strides = array<i32>} : memref<10240xf32, #tpu.memory_space<vmem>>, vector<16xf32>,
      tpu.vector_store %arg7[%swap3A_163], %broadcast_in_dim3A_10 {strides = array<i32>} : memref<10240xf32, #tpu.memory_space<vmem>>, vector<16xf32>,
      %mul3A_165 = arith.constant 8 : i32
      %mul3A_166 = arith.muli %scan3A_53, %mul3A_165 : i32
      %add3A_167 = arith.constant 4 : i32
      %add3A_168 = arith.addi %mul3A_166, %add3A_167 : i32
      %mul3A_169 = arith.constant 16 : i32
      %mul3A_170 = arith.muli %add3A_168, %mul3A_169 : i32
      %swap3A_171 = arith.index_cast %mul3A_170 : i32 to index
      %swap3A_172 = tpu.vector_load %arg8[%swap3A_171] {strides = array<i32>} : memref<10240xf32, #tpu.memory_space<vmem>>, vector<16xf32>,
      tpu.vector_store %arg8[%swap3A_171], %broadcast_in_dim3A_10 {strides = array<i32>} : memref<10240xf32, #tpu.memory_space<vmem>>, vector<16xf32>,
      %mul3A_173 = arith.constant 8 : i32
      %mul3A_174 = arith.muli %scan3A_53, %mul3A_173 : i32
      %add3A_175 = arith.constant 5 : i32
      %add3A_176 = arith.addi %mul3A_174, %add3A_175 : i32
      %mul3A_177 = arith.constant 16 : i32
      %mul3A_178 = arith.muli %add3A_176, %mul3A_177 : i32
      %swap3A_179 = arith.index_cast %mul3A_178 : i32 to index
      %swap3A_180 = tpu.vector_load %arg6[%swap3A_179] {strides = array<i32>} : memref<10240xf32, #tpu.memory_space<vmem>>, vector<16xf32>,
      tpu.vector_store %arg6[%swap3A_179], %broadcast_in_dim3A_10 {strides = array<i32>} : memref<10240xf32, #tpu.memory_space<vmem>>, vector<16xf32>,
      %mul3A_181 = arith.constant 8 : i32
      %mul3A_182 = arith.muli %scan3A_53, %mul3A_181 : i32
      %add3A_183 = arith.constant 5 : i32
      %add3A_184 = arith.addi %mul3A_182, %add3A_183 : i32
      %mul3A_185 = arith.constant 16 : i32
      %mul3A_186 = arith.muli %add3A_184, %mul3A_185 : i32
      %swap3A_187 = arith.index_cast %mul3A_186 : i32 to index
      %swap3A_188 = tpu.vector_load %arg7[%swap3A_187] {strides = array<i32>} : memref<10240xf32, #tpu.memory_space<vmem>>, vector<16xf32>,
      tpu.vector_store %arg7[%swap3A_187], %broadcast_in_dim3A_10 {strides = array<i32>} : memref<10240xf32, #tpu.memory_space<vmem>>, vector<16xf32>,
      %mul3A_189 = arith.constant 8 : i32
      %mul3A_190 = arith.muli %scan3A_53, %mul3A_189 : i32
      %add3A_191 = arith.constant 5 : i32
      %add3A_192 = arith.addi %mul3A_190, %add3A_191 : i32
      %mul3A_193 = arith.constant 16 : i32
      %mul3A_194 = arith.muli %add3A_192, %mul3A_193 : i32
      %swap3A_195 = arith.index_cast %mul3A_194 : i32 to index
      %swap3A_196 = tpu.vector_load %arg8[%swap3A_195] {strides = array<i32>} : memref<10240xf32, #tpu.memory_space<vmem>>, vector<16xf32>,
      tpu.vector_store %arg8[%swap3A_195], %broadcast_in_dim3A_10 {strides = array<i32>} : memref<10240xf32, #tpu.memory_space<vmem>>, vector<16xf32>,
      %mul3A_197 = arith.constant 8 : i32
      %mul3A_198 = arith.muli %scan3A_53, %mul3A_197 : i32
      %add3A_199 = arith.constant 6 : i32
      %add3A_200 = arith.addi %mul3A_198, %add3A_199 : i32
      %mul3A_201 = arith.constant 16 : i32
      %mul3A_202 = arith.muli %add3A_200, %mul3A_201 : i32
      %swap3A_203 = arith.index_cast %mul3A_202 : i32 to index
      %swap3A_204 = tpu.vector_load %arg6[%swap3A_203] {strides = array<i32>} : memref<10240xf32, #tpu.memory_space<vmem>>, vector<16xf32>,
      tpu.vector_store %arg6[%swap3A_203], %broadcast_in_dim3A_10 {strides = array<i32>} : memref<10240xf32, #tpu.memory_space<vmem>>, vector<16xf32>,
      %mul3A_205 = arith.constant 8 : i32
      %mul3A_206 = arith.muli %scan3A_53, %mul3A_205 : i32
      %add3A_207 = arith.constant 6 : i32
      %add3A_208 = arith.addi %mul3A_206, %add3A_207 : i32
      %mul3A_209 = arith.constant 16 : i32
      %mul3A_210 = arith.muli %add3A_208, %mul3A_209 : i32
      %swap3A_211 = arith.index_cast %mul3A_210 : i32 to index
      %swap3A_212 = tpu.vector_load %arg7[%swap3A_211] {strides = array<i32>} : memref<10240xf32, #tpu.memory_space<vmem>>, vector<16xf32>,
      tpu.vector_store %arg7[%swap3A_211], %broadcast_in_dim3A_10 {strides = array<i32>} : memref<10240xf32, #tpu.memory_space<vmem>>, vector<16xf32>,
      %mul3A_213 = arith.constant 8 : i32
      %mul3A_214 = arith.muli %scan3A_53, %mul3A_213 : i32
      %add3A_215 = arith.constant 6 : i32
      %add3A_216 = arith.addi %mul3A_214, %add3A_215 : i32
      %mul3A_217 = arith.constant 16 : i32
      %mul3A_218 = arith.muli %add3A_216, %mul3A_217 : i32
      %swap3A_219 = arith.index_cast %mul3A_218 : i32 to index
      %swap3A_220 = tpu.vector_load %arg8[%swap3A_219] {strides = array<i32>} : memref<10240xf32, #tpu.memory_space<vmem>>, vector<16xf32>,
      tpu.vector_store %arg8[%swap3A_219], %broadcast_in_dim3A_10 {strides = array<i32>} : memref<10240xf32, #tpu.memory_space<vmem>>, vector<16xf32>,
      %mul3A_221 = arith.constant 8 : i32
      %mul3A_222 = arith.muli %scan3A_53, %mul3A_221 : i32
      %add3A_223 = arith.constant 7 : i32
      %add3A_224 = arith.addi %mul3A_222, %add3A_223 : i32
      %mul3A_225 = arith.constant 16 : i32
      %mul3A_226 = arith.muli %add3A_224, %mul3A_225 : i32
      %swap3A_227 = arith.index_cast %mul3A_226 : i32 to index
      %swap3A_228 = tpu.vector_load %arg6[%swap3A_227] {strides = array<i32>} : memref<10240xf32, #tpu.memory_space<vmem>>, vector<16xf32>,
      tpu.vector_store %arg6[%swap3A_227], %broadcast_in_dim3A_10 {strides = array<i32>} : memref<10240xf32, #tpu.memory_space<vmem>>, vector<16xf32>,
      %mul3A_229 = arith.constant 8 : i32
      %mul3A_230 = arith.muli %scan3A_53, %mul3A_229 : i32
      %add3A_231 = arith.constant 7 : i32
      %add3A_232 = arith.addi %mul3A_230, %add3A_231 : i32
      %mul3A_233 = arith.constant 16 : i32
      %mul3A_234 = arith.muli %add3A_232, %mul3A_233 : i32
      %swap3A_235 = arith.index_cast %mul3A_234 : i32 to index
      %swap3A_236 = tpu.vector_load %arg7[%swap3A_235] {strides = array<i32>} : memref<10240xf32, #tpu.memory_space<vmem>>, vector<16xf32>,
      tpu.vector_store %arg7[%swap3A_235], %broadcast_in_dim3A_10 {strides = array<i32>} : memref<10240xf32, #tpu.memory_space<vmem>>, vector<16xf32>,
      %mul3A_237 = arith.constant 8 : i32
      %mul3A_238 = arith.muli %scan3A_53, %mul3A_237 : i32
      %add3A_239 = arith.constant 7 : i32
      %add3A_240 = arith.addi %mul3A_238, %add3A_239 : i32
      %mul3A_241 = arith.constant 16 : i32
      %mul3A_242 = arith.muli %add3A_240, %mul3A_241 : i32
      %swap3A_243 = arith.index_cast %mul3A_242 : i32 to index
      %swap3A_244 = tpu.vector_load %arg8[%swap3A_243] {strides = array<i32>} : memref<10240xf32, #tpu.memory_space<vmem>>, vector<16xf32>,
      tpu.vector_store %arg8[%swap3A_243], %broadcast_in_dim3A_10 {strides = array<i32>} : memref<10240xf32, #tpu.memory_space<vmem>>, vector<16xf32>,
    }
    %scan3A_15 = arith.constant 80 : i32
    %dma_wait3A = tpu.memref_slice %arg2[%mul3A_2] : memref<1280000xi32, #tpu.memory_space<hbm>> -> memref<40000xi32, #tpu.memory_space<hbm>>
    %dma_wait3A_16 = tpu.memref_slice %arg2[%mul3A_2] : memref<1280000xi32, #tpu.memory_space<hbm>> -> memref<40000xi32, #tpu.memory_space<hbm>>
    tpu.wait_dma2 semaphore(%arg13 : memref<!tpu.dma_semaphore, #tpu.memory_space<semaphore_mem>>) src(%dma_wait3A_16 : memref<40000xi32, #tpu.memory_space<hbm>>) dst(%arg4 : memref<40000xi32, #tpu.memory_space<vmem>>)
    %broadcast_in_dim3A_17 = arith.constant 1.000000e+00 : f32
    %broadcast_in_dim3A_18 = vector.broadcast %broadcast_in_dim3A_17 : f32 to vector<16xf32>
    %scan3A_19 = arith.constant 0 : i32
    %scan3A_20 = arith.constant 0 : i32
    %scan3A_21 = arith.constant 250 : i32
    %scan3A_22 = arith.addi %scan3A_20, %scan3A_21 : i32
    %scan3A_23 = arith.constant 1 : i32
    scf.for %scan3A_53 = %scan3A_20 to %scan3A_22 step %scan3A_23  : i32 {
      %mul3A_54 = arith.constant 10 : i32
      %mul3A_55 = arith.muli %scan3A_53, %mul3A_54 : i32
      %add3A_56 = arith.constant 0 : i32
      %add3A_57 = arith.addi %mul3A_55, %add3A_56 : i32
      %mul3A_58 = arith.constant 16 : i32
      %mul3A_59 = arith.muli %add3A_57, %mul3A_58 : i32
      %get3A = arith.index_cast %mul3A_59 : i32 to index
      %get3A_60 = tpu.vector_load %arg4[%get3A] {strides = array<i32>} : memref<40000xi32, #tpu.memory_space<vmem>>, vector<16xi32>,
      %mul3A_61 = arith.constant 10 : i32
      %mul3A_62 = arith.muli %scan3A_53, %mul3A_61 : i32
      %add3A_63 = arith.constant 1 : i32
      %add3A_64 = arith.addi %mul3A_62, %add3A_63 : i32
      %mul3A_65 = arith.constant 16 : i32
      %mul3A_66 = arith.muli %add3A_64, %mul3A_65 : i32
      %get3A_67 = arith.index_cast %mul3A_66 : i32 to index
      %get3A_68 = tpu.vector_load %arg4[%get3A_67] {strides = array<i32>} : memref<40000xi32, #tpu.memory_space<vmem>>, vector<16xi32>,
      %mul3A_69 = arith.constant 10 : i32
      %mul3A_70 = arith.muli %scan3A_53, %mul3A_69 : i32
      %add3A_71 = arith.constant 2 : i32
      %add3A_72 = arith.addi %mul3A_70, %add3A_71 : i32
      %mul3A_73 = arith.constant 16 : i32
      %mul3A_74 = arith.muli %add3A_72, %mul3A_73 : i32
      %get3A_75 = arith.index_cast %mul3A_74 : i32 to index
      %get3A_76 = tpu.vector_load %arg4[%get3A_75] {strides = array<i32>} : memref<40000xi32, #tpu.memory_space<vmem>>, vector<16xi32>,
      %mul3A_77 = arith.constant 10 : i32
      %mul3A_78 = arith.muli %scan3A_53, %mul3A_77 : i32
      %add3A_79 = arith.constant 3 : i32
      %add3A_80 = arith.addi %mul3A_78, %add3A_79 : i32
      %mul3A_81 = arith.constant 16 : i32
      %mul3A_82 = arith.muli %add3A_80, %mul3A_81 : i32
      %get3A_83 = arith.index_cast %mul3A_82 : i32 to index
      %get3A_84 = tpu.vector_load %arg4[%get3A_83] {strides = array<i32>} : memref<40000xi32, #tpu.memory_space<vmem>>, vector<16xi32>,
      %mul3A_85 = arith.constant 10 : i32
      %mul3A_86 = arith.muli %scan3A_53, %mul3A_85 : i32
      %add3A_87 = arith.constant 4 : i32
      %add3A_88 = arith.addi %mul3A_86, %add3A_87 : i32
      %mul3A_89 = arith.constant 16 : i32
      %mul3A_90 = arith.muli %add3A_88, %mul3A_89 : i32
      %get3A_91 = arith.index_cast %mul3A_90 : i32 to index
      %get3A_92 = tpu.vector_load %arg4[%get3A_91] {strides = array<i32>} : memref<40000xi32, #tpu.memory_space<vmem>>, vector<16xi32>,
      %mul3A_93 = arith.constant 10 : i32
      %mul3A_94 = arith.muli %scan3A_53, %mul3A_93 : i32
      %add3A_95 = arith.constant 5 : i32
      %add3A_96 = arith.addi %mul3A_94, %add3A_95 : i32
      %mul3A_97 = arith.constant 16 : i32
      %mul3A_98 = arith.muli %add3A_96, %mul3A_97 : i32
      %get3A_99 = arith.index_cast %mul3A_98 : i32 to index
      %get3A_100 = tpu.vector_load %arg4[%get3A_99] {strides = array<i32>} : memref<40000xi32, #tpu.memory_space<vmem>>, vector<16xi32>,
      %mul3A_101 = arith.constant 10 : i32
      %mul3A_102 = arith.muli %scan3A_53, %mul3A_101 : i32
      %add3A_103 = arith.constant 6 : i32
      %add3A_104 = arith.addi %mul3A_102, %add3A_103 : i32
      %mul3A_105 = arith.constant 16 : i32
      %mul3A_106 = arith.muli %add3A_104, %mul3A_105 : i32
      %get3A_107 = arith.index_cast %mul3A_106 : i32 to index
      %get3A_108 = tpu.vector_load %arg4[%get3A_107] {strides = array<i32>} : memref<40000xi32, #tpu.memory_space<vmem>>, vector<16xi32>,
      %mul3A_109 = arith.constant 10 : i32
      %mul3A_110 = arith.muli %scan3A_53, %mul3A_109 : i32
      %add3A_111 = arith.constant 7 : i32
      %add3A_112 = arith.addi %mul3A_110, %add3A_111 : i32
      %mul3A_113 = arith.constant 16 : i32
      %mul3A_114 = arith.muli %add3A_112, %mul3A_113 : i32
      %get3A_115 = arith.index_cast %mul3A_114 : i32 to index
      %get3A_116 = tpu.vector_load %arg4[%get3A_115] {strides = array<i32>} : memref<40000xi32, #tpu.memory_space<vmem>>, vector<16xi32>,
      %mul3A_117 = arith.constant 10 : i32
      %mul3A_118 = arith.muli %scan3A_53, %mul3A_117 : i32
      %add3A_119 = arith.constant 8 : i32
      %add3A_120 = arith.addi %mul3A_118, %add3A_119 : i32
      %mul3A_121 = arith.constant 16 : i32
      %mul3A_122 = arith.muli %add3A_120, %mul3A_121 : i32
      %get3A_123 = arith.index_cast %mul3A_122 : i32 to index
      %get3A_124 = tpu.vector_load %arg4[%get3A_123] {strides = array<i32>} : memref<40000xi32, #tpu.memory_space<vmem>>, vector<16xi32>,
      %mul3A_125 = arith.constant 10 : i32
      %mul3A_126 = arith.muli %scan3A_53, %mul3A_125 : i32
      %add3A_127 = arith.constant 9 : i32
      %add3A_128 = arith.addi %mul3A_126, %add3A_127 : i32
      %mul3A_129 = arith.constant 16 : i32
      %mul3A_130 = arith.muli %add3A_128, %mul3A_129 : i32
      %get3A_131 = arith.index_cast %mul3A_130 : i32 to index
      %get3A_132 = tpu.vector_load %arg4[%get3A_131] {strides = array<i32>} : memref<40000xi32, #tpu.memory_space<vmem>>, vector<16xi32>,
      tpu.vector_store_idx %arg6[%get3A_60], %broadcast_in_dim3A_18 {add = true} : memref<10240xf32, #tpu.memory_space<vmem>>[vector<16xi32>], vector<16xf32>,
      tpu.vector_store_idx %arg6[%get3A_68], %broadcast_in_dim3A_18 {add = true} : memref<10240xf32, #tpu.memory_space<vmem>>[vector<16xi32>], vector<16xf32>,
      tpu.vector_store_idx %arg6[%get3A_76], %broadcast_in_dim3A_18 {add = true} : memref<10240xf32, #tpu.memory_space<vmem>>[vector<16xi32>], vector<16xf32>,
      tpu.vector_store_idx %arg6[%get3A_84], %broadcast_in_dim3A_18 {add = true} : memref<10240xf32, #tpu.memory_space<vmem>>[vector<16xi32>], vector<16xf32>,
      tpu.vector_store_idx %arg6[%get3A_92], %broadcast_in_dim3A_18 {add = true} : memref<10240xf32, #tpu.memory_space<vmem>>[vector<16xi32>], vector<16xf32>,
      tpu.vector_store_idx %arg6[%get3A_100], %broadcast_in_dim3A_18 {add = true} : memref<10240xf32, #tpu.memory_space<vmem>>[vector<16xi32>], vector<16xf32>,
      tpu.vector_store_idx %arg6[%get3A_108], %broadcast_in_dim3A_18 {add = true} : memref<10240xf32, #tpu.memory_space<vmem>>[vector<16xi32>], vector<16xf32>,
      tpu.vector_store_idx %arg6[%get3A_116], %broadcast_in_dim3A_18 {add = true} : memref<10240xf32, #tpu.memory_space<vmem>>[vector<16xi32>], vector<16xf32>,
      tpu.vector_store_idx %arg6[%get3A_124], %broadcast_in_dim3A_18 {add = true} : memref<10240xf32, #tpu.memory_space<vmem>>[vector<16xi32>], vector<16xf32>,
      tpu.vector_store_idx %arg6[%get3A_132], %broadcast_in_dim3A_18 {add = true} : memref<10240xf32, #tpu.memory_space<vmem>>[vector<16xi32>], vector<16xf32>,
    }
    %scan3A_24 = arith.constant 250 : i32
    "tpu.region"() ({
      %run_scoped3A = tpu.sem_alloc : memref<!tpu.dma_semaphore, #tpu.memory_space<semaphore_mem>>
      %dma_start3A_53 = arith.constant 0 : i32
      %dma_start3A_54 = tpu.memref_slice %arg11[%arg1, %dma_start3A_53] : memref<16x10240xf32, #tpu.memory_space<vmem_shared>> -> memref<1x10240xf32, #tpu.memory_space<vmem_shared>>
      %dma_start3A_55 = tpu.memref_squeeze %dma_start3A_54 : memref<1x10240xf32, #tpu.memory_space<vmem_shared>> -> memref<10240xf32, #tpu.memory_space<vmem_shared>>
      %dma_start3A_56 = arith.constant 0 : i32
      %dma_start3A_57 = tpu.memref_slice %arg11[%arg1, %dma_start3A_56] : memref<16x10240xf32, #tpu.memory_space<vmem_shared>> -> memref<1x10240xf32, #tpu.memory_space<vmem_shared>>
      %dma_start3A_58 = tpu.memref_squeeze %dma_start3A_57 : memref<1x10240xf32, #tpu.memory_space<vmem_shared>> -> memref<10240xf32, #tpu.memory_space<vmem_shared>>
      tpu.enqueue_dma source(%arg6 : memref<10240xf32, #tpu.memory_space<vmem>>) target(%dma_start3A_58 : memref<10240xf32, #tpu.memory_space<vmem_shared>>) target_semaphore(%run_scoped3A : memref<!tpu.dma_semaphore, #tpu.memory_space<semaphore_mem>>)
      %dma_wait3A_59 = arith.constant 0 : i32
      %dma_wait3A_60 = tpu.memref_slice %arg11[%arg1, %dma_wait3A_59] : memref<16x10240xf32, #tpu.memory_space<vmem_shared>> -> memref<1x10240xf32, #tpu.memory_space<vmem_shared>>
      %dma_wait3A_61 = tpu.memref_squeeze %dma_wait3A_60 : memref<1x10240xf32, #tpu.memory_space<vmem_shared>> -> memref<10240xf32, #tpu.memory_space<vmem_shared>>
      %dma_wait3A_62 = arith.constant 0 : i32
      %dma_wait3A_63 = tpu.memref_slice %arg11[%arg1, %dma_wait3A_62] : memref<16x10240xf32, #tpu.memory_space<vmem_shared>> -> memref<1x10240xf32, #tpu.memory_space<vmem_shared>>
      %dma_wait3A_64 = tpu.memref_squeeze %dma_wait3A_63 : memref<1x10240xf32, #tpu.memory_space<vmem_shared>> -> memref<10240xf32, #tpu.memory_space<vmem_shared>>
      tpu.wait_dma2 semaphore(%run_scoped3A : memref<!tpu.dma_semaphore, #tpu.memory_space<semaphore_mem>>) src(%arg6 : memref<10240xf32, #tpu.memory_space<vmem>>) dst(%dma_wait3A_64 : memref<10240xf32, #tpu.memory_space<vmem_shared>>)
      tpu.yield
    }) : () -> ()
    %barrier3A = arith.constant 0 : index
    tpu.barrier barrier_id(%barrier3A)
    %mul3A_25 = arith.constant 640 : i32
    %mul3A_26 = arith.muli %arg1, %mul3A_25 : i32
    "tpu.region"() ({
      %run_scoped3A = tpu.sem_alloc : memref<!tpu.dma_semaphore, #tpu.memory_space<semaphore_mem>>
      %dma_start3A_53 = arith.constant 0 : i32
      %dma_start3A_54 = tpu.memref_slice %arg11[%dma_start3A_53, %mul3A_26] : memref<16x10240xf32, #tpu.memory_space<vmem_shared>> -> memref<16x640xf32, #tpu.memory_space<vmem_shared>>
      %dma_start3A_55 = arith.constant 0 : i32
      %dma_start3A_56 = tpu.memref_slice %arg11[%dma_start3A_55, %mul3A_26] : memref<16x10240xf32, #tpu.memory_space<vmem_shared>> -> memref<16x640xf32, #tpu.memory_space<vmem_shared>>
      tpu.enqueue_dma source(%dma_start3A_56 : memref<16x640xf32, #tpu.memory_space<vmem_shared>>) target(%arg9 : memref<16x640xf32, #tpu.memory_space<vmem>>) target_semaphore(%run_scoped3A : memref<!tpu.dma_semaphore, #tpu.memory_space<semaphore_mem>>)
      %dma_wait3A_57 = arith.constant 0 : i32
      %dma_wait3A_58 = tpu.memref_slice %arg11[%dma_wait3A_57, %mul3A_26] : memref<16x10240xf32, #tpu.memory_space<vmem_shared>> -> memref<16x640xf32, #tpu.memory_space<vmem_shared>>
      %dma_wait3A_59 = arith.constant 0 : i32
      %dma_wait3A_60 = tpu.memref_slice %arg11[%dma_wait3A_59, %mul3A_26] : memref<16x10240xf32, #tpu.memory_space<vmem_shared>> -> memref<16x640xf32, #tpu.memory_space<vmem_shared>>
      tpu.wait_dma2 semaphore(%run_scoped3A : memref<!tpu.dma_semaphore, #tpu.memory_space<semaphore_mem>>) src(%dma_wait3A_60 : memref<16x640xf32, #tpu.memory_space<vmem_shared>>) dst(%arg9 : memref<16x640xf32, #tpu.memory_space<vmem>>)
      tpu.yield
    }) : () -> ()
    %scan3A_27 = arith.constant 0 : i32
    %scan3A_28 = arith.constant 0 : i32
    %scan3A_29 = arith.constant 40 : i32
    %scan3A_30 = arith.addi %scan3A_28, %scan3A_29 : i32
    %scan3A_31 = arith.constant 1 : i32
    scf.for %scan3A_53 = %scan3A_28 to %scan3A_30 step %scan3A_31  : i32 {
      %mul3A_54 = arith.constant 16 : i32
      %mul3A_55 = arith.muli %scan3A_53, %mul3A_54 : i32
      %get3A = arith.constant 0 : i32
      %get3A_56 = arith.index_cast %get3A : i32 to index
      %get3A_57 = arith.index_cast %mul3A_55 : i32 to index
      %get3A_58 = tpu.vector_load %arg9[%get3A_56, %get3A_57] {strides = array<i32>} : memref<16x640xf32, #tpu.memory_space<vmem>>, vector<16xf32>,
      %mul3A_59 = arith.constant 16 : i32
      %mul3A_60 = arith.muli %scan3A_53, %mul3A_59 : i32
      %get3A_61 = arith.constant 1 : i32
      %get3A_62 = arith.index_cast %get3A_61 : i32 to index
      %get3A_63 = arith.index_cast %mul3A_60 : i32 to index
      %get3A_64 = tpu.vector_load %arg9[%get3A_62, %get3A_63] {strides = array<i32>} : memref<16x640xf32, #tpu.memory_space<vmem>>, vector<16xf32>,
      %add3A_65 = arith.addf %get3A_58, %get3A_64 : vector<16xf32>
      %mul3A_66 = arith.constant 16 : i32
      %mul3A_67 = arith.muli %scan3A_53, %mul3A_66 : i32
      %get3A_68 = arith.constant 2 : i32
      %get3A_69 = arith.index_cast %get3A_68 : i32 to index
      %get3A_70 = arith.index_cast %mul3A_67 : i32 to index
      %get3A_71 = tpu.vector_load %arg9[%get3A_69, %get3A_70] {strides = array<i32>} : memref<16x640xf32, #tpu.memory_space<vmem>>, vector<16xf32>,
      %add3A_72 = arith.addf %add3A_65, %get3A_71 : vector<16xf32>
      %mul3A_73 = arith.constant 16 : i32
      %mul3A_74 = arith.muli %scan3A_53, %mul3A_73 : i32
      %get3A_75 = arith.constant 3 : i32
      %get3A_76 = arith.index_cast %get3A_75 : i32 to index
      %get3A_77 = arith.index_cast %mul3A_74 : i32 to index
      %get3A_78 = tpu.vector_load %arg9[%get3A_76, %get3A_77] {strides = array<i32>} : memref<16x640xf32, #tpu.memory_space<vmem>>, vector<16xf32>,
      %add3A_79 = arith.addf %add3A_72, %get3A_78 : vector<16xf32>
      %mul3A_80 = arith.constant 16 : i32
      %mul3A_81 = arith.muli %scan3A_53, %mul3A_80 : i32
      %get3A_82 = arith.constant 4 : i32
      %get3A_83 = arith.index_cast %get3A_82 : i32 to index
      %get3A_84 = arith.index_cast %mul3A_81 : i32 to index
      %get3A_85 = tpu.vector_load %arg9[%get3A_83, %get3A_84] {strides = array<i32>} : memref<16x640xf32, #tpu.memory_space<vmem>>, vector<16xf32>,
      %add3A_86 = arith.addf %add3A_79, %get3A_85 : vector<16xf32>
      %mul3A_87 = arith.constant 16 : i32
      %mul3A_88 = arith.muli %scan3A_53, %mul3A_87 : i32
      %get3A_89 = arith.constant 5 : i32
      %get3A_90 = arith.index_cast %get3A_89 : i32 to index
      %get3A_91 = arith.index_cast %mul3A_88 : i32 to index
      %get3A_92 = tpu.vector_load %arg9[%get3A_90, %get3A_91] {strides = array<i32>} : memref<16x640xf32, #tpu.memory_space<vmem>>, vector<16xf32>,
      %add3A_93 = arith.addf %add3A_86, %get3A_92 : vector<16xf32>
      %mul3A_94 = arith.constant 16 : i32
      %mul3A_95 = arith.muli %scan3A_53, %mul3A_94 : i32
      %get3A_96 = arith.constant 6 : i32
      %get3A_97 = arith.index_cast %get3A_96 : i32 to index
      %get3A_98 = arith.index_cast %mul3A_95 : i32 to index
      %get3A_99 = tpu.vector_load %arg9[%get3A_97, %get3A_98] {strides = array<i32>} : memref<16x640xf32, #tpu.memory_space<vmem>>, vector<16xf32>,
      %add3A_100 = arith.addf %add3A_93, %get3A_99 : vector<16xf32>
      %mul3A_101 = arith.constant 16 : i32
      %mul3A_102 = arith.muli %scan3A_53, %mul3A_101 : i32
      %get3A_103 = arith.constant 7 : i32
      %get3A_104 = arith.index_cast %get3A_103 : i32 to index
      %get3A_105 = arith.index_cast %mul3A_102 : i32 to index
      %get3A_106 = tpu.vector_load %arg9[%get3A_104, %get3A_105] {strides = array<i32>} : memref<16x640xf32, #tpu.memory_space<vmem>>, vector<16xf32>,
      %add3A_107 = arith.addf %add3A_100, %get3A_106 : vector<16xf32>
      %mul3A_108 = arith.constant 16 : i32
      %mul3A_109 = arith.muli %scan3A_53, %mul3A_108 : i32
      %get3A_110 = arith.constant 8 : i32
      %get3A_111 = arith.index_cast %get3A_110 : i32 to index
      %get3A_112 = arith.index_cast %mul3A_109 : i32 to index
      %get3A_113 = tpu.vector_load %arg9[%get3A_111, %get3A_112] {strides = array<i32>} : memref<16x640xf32, #tpu.memory_space<vmem>>, vector<16xf32>,
      %add3A_114 = arith.addf %add3A_107, %get3A_113 : vector<16xf32>
      %mul3A_115 = arith.constant 16 : i32
      %mul3A_116 = arith.muli %scan3A_53, %mul3A_115 : i32
      %get3A_117 = arith.constant 9 : i32
      %get3A_118 = arith.index_cast %get3A_117 : i32 to index
      %get3A_119 = arith.index_cast %mul3A_116 : i32 to index
      %get3A_120 = tpu.vector_load %arg9[%get3A_118, %get3A_119] {strides = array<i32>} : memref<16x640xf32, #tpu.memory_space<vmem>>, vector<16xf32>,
      %add3A_121 = arith.addf %add3A_114, %get3A_120 : vector<16xf32>
      %mul3A_122 = arith.constant 16 : i32
      %mul3A_123 = arith.muli %scan3A_53, %mul3A_122 : i32
      %get3A_124 = arith.constant 10 : i32
      %get3A_125 = arith.index_cast %get3A_124 : i32 to index
      %get3A_126 = arith.index_cast %mul3A_123 : i32 to index
      %get3A_127 = tpu.vector_load %arg9[%get3A_125, %get3A_126] {strides = array<i32>} : memref<16x640xf32, #tpu.memory_space<vmem>>, vector<16xf32>,
      %add3A_128 = arith.addf %add3A_121, %get3A_127 : vector<16xf32>
      %mul3A_129 = arith.constant 16 : i32
      %mul3A_130 = arith.muli %scan3A_53, %mul3A_129 : i32
      %get3A_131 = arith.constant 11 : i32
      %get3A_132 = arith.index_cast %get3A_131 : i32 to index
      %get3A_133 = arith.index_cast %mul3A_130 : i32 to index
      %get3A_134 = tpu.vector_load %arg9[%get3A_132, %get3A_133] {strides = array<i32>} : memref<16x640xf32, #tpu.memory_space<vmem>>, vector<16xf32>,
      %add3A_135 = arith.addf %add3A_128, %get3A_134 : vector<16xf32>
      %mul3A_136 = arith.constant 16 : i32
      %mul3A_137 = arith.muli %scan3A_53, %mul3A_136 : i32
      %get3A_138 = arith.constant 12 : i32
      %get3A_139 = arith.index_cast %get3A_138 : i32 to index
      %get3A_140 = arith.index_cast %mul3A_137 : i32 to index
      %get3A_141 = tpu.vector_load %arg9[%get3A_139, %get3A_140] {strides = array<i32>} : memref<16x640xf32, #tpu.memory_space<vmem>>, vector<16xf32>,
      %add3A_142 = arith.addf %add3A_135, %get3A_141 : vector<16xf32>
      %mul3A_143 = arith.constant 16 : i32
      %mul3A_144 = arith.muli %scan3A_53, %mul3A_143 : i32
      %get3A_145 = arith.constant 13 : i32
      %get3A_146 = arith.index_cast %get3A_145 : i32 to index
      %get3A_147 = arith.index_cast %mul3A_144 : i32 to index
      %get3A_148 = tpu.vector_load %arg9[%get3A_146, %get3A_147] {strides = array<i32>} : memref<16x640xf32, #tpu.memory_space<vmem>>, vector<16xf32>,
      %add3A_149 = arith.addf %add3A_142, %get3A_148 : vector<16xf32>
      %mul3A_150 = arith.constant 16 : i32
      %mul3A_151 = arith.muli %scan3A_53, %mul3A_150 : i32
      %get3A_152 = arith.constant 14 : i32
      %get3A_153 = arith.index_cast %get3A_152 : i32 to index
      %get3A_154 = arith.index_cast %mul3A_151 : i32 to index
      %get3A_155 = tpu.vector_load %arg9[%get3A_153, %get3A_154] {strides = array<i32>} : memref<16x640xf32, #tpu.memory_space<vmem>>, vector<16xf32>,
      %add3A_156 = arith.addf %add3A_149, %get3A_155 : vector<16xf32>
      %mul3A_157 = arith.constant 16 : i32
      %mul3A_158 = arith.muli %scan3A_53, %mul3A_157 : i32
      %get3A_159 = arith.constant 15 : i32
      %get3A_160 = arith.index_cast %get3A_159 : i32 to index
      %get3A_161 = arith.index_cast %mul3A_158 : i32 to index
      %get3A_162 = tpu.vector_load %arg9[%get3A_160, %get3A_161] {strides = array<i32>} : memref<16x640xf32, #tpu.memory_space<vmem>>, vector<16xf32>,
      %add3A_163 = arith.addf %add3A_156, %get3A_162 : vector<16xf32>
      %bitcast3A = vector.bitcast %add3A_163 : vector<16xf32> to vector<16xi32>
      %shift_right_logical3A = arith.constant 1 : i32
      %shift_right_logical3A_164 = vector.broadcast %shift_right_logical3A : i32 to vector<16xi32>
      %shift_right_logical3A_165 = arith.shrui %bitcast3A, %shift_right_logical3A_164 : vector<16xi32>
      %sub3A = arith.constant 1597463007 : i32
      %sub3A_166 = vector.broadcast %sub3A : i32 to vector<16xi32>
      %sub3A_167 = arith.subi %sub3A_166, %shift_right_logical3A_165 : vector<16xi32>
      %bitcast3A_168 = vector.bitcast %sub3A_167 : vector<16xi32> to vector<16xf32>
      %mul3A_169 = arith.constant -5.000000e-01 : f32
      %mul3A_170 = vector.broadcast %mul3A_169 : f32 to vector<16xf32>
      %mul3A_171 = arith.mulf %add3A_163, %mul3A_170 : vector<16xf32>
      %mul3A_172 = arith.mulf %bitcast3A_168, %bitcast3A_168 : vector<16xf32>
      %mul3A_173 = arith.mulf %mul3A_172, %mul3A_171 : vector<16xf32>
      %add3A_174 = arith.constant 1.500000e+00 : f32
      %add3A_175 = vector.broadcast %add3A_174 : f32 to vector<16xf32>
      %add3A_176 = arith.addf %mul3A_173, %add3A_175 : vector<16xf32>
      %mul3A_177 = arith.mulf %bitcast3A_168, %add3A_176 : vector<16xf32>
      %mul3A_178 = arith.mulf %mul3A_177, %mul3A_177 : vector<16xf32>
      %mul3A_179 = arith.mulf %mul3A_178, %mul3A_171 : vector<16xf32>
      %add3A_180 = arith.constant 1.500000e+00 : f32
      %add3A_181 = vector.broadcast %add3A_180 : f32 to vector<16xf32>
      %add3A_182 = arith.addf %mul3A_179, %add3A_181 : vector<16xf32>
      %mul3A_183 = arith.mulf %mul3A_177, %add3A_182 : vector<16xf32>
      %mul3A_184 = arith.mulf %mul3A_183, %mul3A_183 : vector<16xf32>
      %mul3A_185 = arith.mulf %mul3A_184, %mul3A_171 : vector<16xf32>
      %add3A_186 = arith.constant 1.500000e+00 : f32
      %add3A_187 = vector.broadcast %add3A_186 : f32 to vector<16xf32>
      %add3A_188 = arith.addf %mul3A_185, %add3A_187 : vector<16xf32>
      %mul3A_189 = arith.mulf %mul3A_183, %add3A_188 : vector<16xf32>
      %gt3A = arith.constant 0.000000e+00 : f32
      %gt3A_190 = vector.broadcast %gt3A : f32 to vector<16xf32>
      %gt3A_191 = arith.cmpf ogt, %add3A_163, %gt3A_190 : vector<16xf32>
      %jit3A = arith.constant 0.000000e+00 : f32
      %broadcast_in_dim3A_192 = vector.broadcast %jit3A : f32 to vector<16xf32>
      %select_n3A = arith.select %gt3A_191, %mul3A_189, %broadcast_in_dim3A_192 : vector<16xi1>, vector<16xf32>
      %mul3A_193 = arith.constant 16 : i32
      %mul3A_194 = arith.muli %scan3A_53, %mul3A_193 : i32
      %add3A_195 = arith.addi %mul3A_26, %mul3A_194 : i32
      %swap3A = arith.index_cast %add3A_195 : i32 to index
      %swap3A_196 = tpu.vector_load %arg6[%swap3A] {strides = array<i32>} : memref<10240xf32, #tpu.memory_space<vmem>>, vector<16xf32>,
      tpu.vector_store %arg6[%swap3A], %select_n3A {strides = array<i32>} : memref<10240xf32, #tpu.memory_space<vmem>>, vector<16xf32>,
    }
    %scan3A_32 = arith.constant 40 : i32
    "tpu.region"() ({
      %run_scoped3A = tpu.sem_alloc : memref<!tpu.dma_semaphore, #tpu.memory_space<semaphore_mem>>
      %dma_start3A_53 = tpu.memref_slice %arg6[%mul3A_26] : memref<10240xf32, #tpu.memory_space<vmem>> -> memref<640xf32, #tpu.memory_space<vmem>>
      %dma_start3A_54 = tpu.memref_slice %arg12[%mul3A_26] : memref<10240xf32, #tpu.memory_space<vmem_shared>> -> memref<640xf32, #tpu.memory_space<vmem_shared>>
      %dma_start3A_55 = tpu.memref_slice %arg12[%mul3A_26] : memref<10240xf32, #tpu.memory_space<vmem_shared>> -> memref<640xf32, #tpu.memory_space<vmem_shared>>
      %dma_start3A_56 = tpu.memref_slice %arg6[%mul3A_26] : memref<10240xf32, #tpu.memory_space<vmem>> -> memref<640xf32, #tpu.memory_space<vmem>>
      tpu.enqueue_dma source(%dma_start3A_56 : memref<640xf32, #tpu.memory_space<vmem>>) target(%dma_start3A_55 : memref<640xf32, #tpu.memory_space<vmem_shared>>) target_semaphore(%run_scoped3A : memref<!tpu.dma_semaphore, #tpu.memory_space<semaphore_mem>>)
      %dma_wait3A_57 = tpu.memref_slice %arg6[%mul3A_26] : memref<10240xf32, #tpu.memory_space<vmem>> -> memref<640xf32, #tpu.memory_space<vmem>>
      %dma_wait3A_58 = tpu.memref_slice %arg12[%mul3A_26] : memref<10240xf32, #tpu.memory_space<vmem_shared>> -> memref<640xf32, #tpu.memory_space<vmem_shared>>
      %dma_wait3A_59 = tpu.memref_slice %arg12[%mul3A_26] : memref<10240xf32, #tpu.memory_space<vmem_shared>> -> memref<640xf32, #tpu.memory_space<vmem_shared>>
      %dma_wait3A_60 = tpu.memref_slice %arg6[%mul3A_26] : memref<10240xf32, #tpu.memory_space<vmem>> -> memref<640xf32, #tpu.memory_space<vmem>>
      tpu.wait_dma2 semaphore(%run_scoped3A : memref<!tpu.dma_semaphore, #tpu.memory_space<semaphore_mem>>) src(%dma_wait3A_60 : memref<640xf32, #tpu.memory_space<vmem>>) dst(%dma_wait3A_59 : memref<640xf32, #tpu.memory_space<vmem_shared>>)
      tpu.yield
    }) : () -> ()
    %barrier3A_33 = arith.constant 0 : index
    tpu.barrier barrier_id(%barrier3A_33)
    "tpu.region"() ({
      %run_scoped3A = tpu.sem_alloc : memref<!tpu.dma_semaphore, #tpu.memory_space<semaphore_mem>>
      tpu.enqueue_dma source(%arg12 : memref<10240xf32, #tpu.memory_space<vmem_shared>>) target(%arg6 : memref<10240xf32, #tpu.memory_space<vmem>>) target_semaphore(%run_scoped3A : memref<!tpu.dma_semaphore, #tpu.memory_space<semaphore_mem>>)
      tpu.wait_dma2 semaphore(%run_scoped3A : memref<!tpu.dma_semaphore, #tpu.memory_space<semaphore_mem>>) src(%arg12 : memref<10240xf32, #tpu.memory_space<vmem_shared>>) dst(%arg6 : memref<10240xf32, #tpu.memory_space<vmem>>)
      tpu.yield
    }) : () -> ()
    %dma_wait3A_34 = tpu.memref_slice %arg2[%add3A_7] : memref<1280000xi32, #tpu.memory_space<hbm>> -> memref<20000xi32, #tpu.memory_space<hbm>>
    %dma_wait3A_35 = tpu.memref_slice %arg2[%add3A_7] : memref<1280000xi32, #tpu.memory_space<hbm>> -> memref<20000xi32, #tpu.memory_space<hbm>>
    tpu.wait_dma2 semaphore(%arg14 : memref<!tpu.dma_semaphore, #tpu.memory_space<semaphore_mem>>) src(%dma_wait3A_35 : memref<20000xi32, #tpu.memory_space<hbm>>) dst(%arg5 : memref<20000xi32, #tpu.memory_space<vmem>>)
    %mul3A_36 = arith.constant 20000 : i32
    %mul3A_37 = arith.muli %arg0, %mul3A_36 : i32
    %scan3A_38 = arith.constant 0 : i32
    %scan3A_39 = arith.constant 0 : i32
    %scan3A_40 = arith.constant 125 : i32
    %scan3A_41 = arith.addi %scan3A_39, %scan3A_40 : i32
    %scan3A_42 = arith.constant 1 : i32
    scf.for %scan3A_53 = %scan3A_39 to %scan3A_41 step %scan3A_42  : i32 {
      %mul3A_54 = arith.constant 10 : i32
      %mul3A_55 = arith.muli %scan3A_53, %mul3A_54 : i32
      %add3A_56 = arith.constant 0 : i32
      %add3A_57 = arith.addi %mul3A_55, %add3A_56 : i32
      %mul3A_58 = arith.constant 16 : i32
      %mul3A_59 = arith.muli %add3A_57, %mul3A_58 : i32
      %add3A_60 = arith.addi %mul3A_37, %mul3A_59 : i32
      %get3A = arith.index_cast %add3A_60 : i32 to index
      %get3A_61 = tpu.vector_load %arg4[%get3A] {strides = array<i32>} : memref<40000xi32, #tpu.memory_space<vmem>>, vector<16xi32>,
      %get3A_62 = arith.index_cast %mul3A_59 : i32 to index
      %get3A_63 = tpu.vector_load %arg5[%get3A_62] {strides = array<i32>} : memref<20000xi32, #tpu.memory_space<vmem>>, vector<16xi32>,
      %gather3A = tpu.vector_load_idx %arg6[%get3A_63] : memref<10240xf32, #tpu.memory_space<vmem>>[vector<16xi32>], vector<16xf32>,
      %mul3A_64 = arith.constant 10 : i32
      %mul3A_65 = arith.muli %scan3A_53, %mul3A_64 : i32
      %add3A_66 = arith.constant 1 : i32
      %add3A_67 = arith.addi %mul3A_65, %add3A_66 : i32
      %mul3A_68 = arith.constant 16 : i32
      %mul3A_69 = arith.muli %add3A_67, %mul3A_68 : i32
      %add3A_70 = arith.addi %mul3A_37, %mul3A_69 : i32
      %get3A_71 = arith.index_cast %add3A_70 : i32 to index
      %get3A_72 = tpu.vector_load %arg4[%get3A_71] {strides = array<i32>} : memref<40000xi32, #tpu.memory_space<vmem>>, vector<16xi32>,
      %get3A_73 = arith.index_cast %mul3A_69 : i32 to index
      %get3A_74 = tpu.vector_load %arg5[%get3A_73] {strides = array<i32>} : memref<20000xi32, #tpu.memory_space<vmem>>, vector<16xi32>,
      %gather3A_75 = tpu.vector_load_idx %arg6[%get3A_74] : memref<10240xf32, #tpu.memory_space<vmem>>[vector<16xi32>], vector<16xf32>,
      %mul3A_76 = arith.constant 10 : i32
      %mul3A_77 = arith.muli %scan3A_53, %mul3A_76 : i32
      %add3A_78 = arith.constant 2 : i32
      %add3A_79 = arith.addi %mul3A_77, %add3A_78 : i32
      %mul3A_80 = arith.constant 16 : i32
      %mul3A_81 = arith.muli %add3A_79, %mul3A_80 : i32
      %add3A_82 = arith.addi %mul3A_37, %mul3A_81 : i32
      %get3A_83 = arith.index_cast %add3A_82 : i32 to index
      %get3A_84 = tpu.vector_load %arg4[%get3A_83] {strides = array<i32>} : memref<40000xi32, #tpu.memory_space<vmem>>, vector<16xi32>,
      %get3A_85 = arith.index_cast %mul3A_81 : i32 to index
      %get3A_86 = tpu.vector_load %arg5[%get3A_85] {strides = array<i32>} : memref<20000xi32, #tpu.memory_space<vmem>>, vector<16xi32>,
      %gather3A_87 = tpu.vector_load_idx %arg6[%get3A_86] : memref<10240xf32, #tpu.memory_space<vmem>>[vector<16xi32>], vector<16xf32>,
      %mul3A_88 = arith.constant 10 : i32
      %mul3A_89 = arith.muli %scan3A_53, %mul3A_88 : i32
      %add3A_90 = arith.constant 3 : i32
      %add3A_91 = arith.addi %mul3A_89, %add3A_90 : i32
      %mul3A_92 = arith.constant 16 : i32
      %mul3A_93 = arith.muli %add3A_91, %mul3A_92 : i32
      %add3A_94 = arith.addi %mul3A_37, %mul3A_93 : i32
      %get3A_95 = arith.index_cast %add3A_94 : i32 to index
      %get3A_96 = tpu.vector_load %arg4[%get3A_95] {strides = array<i32>} : memref<40000xi32, #tpu.memory_space<vmem>>, vector<16xi32>,
      %get3A_97 = arith.index_cast %mul3A_93 : i32 to index
      %get3A_98 = tpu.vector_load %arg5[%get3A_97] {strides = array<i32>} : memref<20000xi32, #tpu.memory_space<vmem>>, vector<16xi32>,
      %gather3A_99 = tpu.vector_load_idx %arg6[%get3A_98] : memref<10240xf32, #tpu.memory_space<vmem>>[vector<16xi32>], vector<16xf32>,
      %mul3A_100 = arith.constant 10 : i32
      %mul3A_101 = arith.muli %scan3A_53, %mul3A_100 : i32
      %add3A_102 = arith.constant 4 : i32
      %add3A_103 = arith.addi %mul3A_101, %add3A_102 : i32
      %mul3A_104 = arith.constant 16 : i32
      %mul3A_105 = arith.muli %add3A_103, %mul3A_104 : i32
      %add3A_106 = arith.addi %mul3A_37, %mul3A_105 : i32
      %get3A_107 = arith.index_cast %add3A_106 : i32 to index
      %get3A_108 = tpu.vector_load %arg4[%get3A_107] {strides = array<i32>} : memref<40000xi32, #tpu.memory_space<vmem>>, vector<16xi32>,
      %get3A_109 = arith.index_cast %mul3A_105 : i32 to index
      %get3A_110 = tpu.vector_load %arg5[%get3A_109] {strides = array<i32>} : memref<20000xi32, #tpu.memory_space<vmem>>, vector<16xi32>,
      %gather3A_111 = tpu.vector_load_idx %arg6[%get3A_110] : memref<10240xf32, #tpu.memory_space<vmem>>[vector<16xi32>], vector<16xf32>,
      %mul3A_112 = arith.constant 10 : i32
      %mul3A_113 = arith.muli %scan3A_53, %mul3A_112 : i32
      %add3A_114 = arith.constant 5 : i32
      %add3A_115 = arith.addi %mul3A_113, %add3A_114 : i32
      %mul3A_116 = arith.constant 16 : i32
      %mul3A_117 = arith.muli %add3A_115, %mul3A_116 : i32
      %add3A_118 = arith.addi %mul3A_37, %mul3A_117 : i32
      %get3A_119 = arith.index_cast %add3A_118 : i32 to index
      %get3A_120 = tpu.vector_load %arg4[%get3A_119] {strides = array<i32>} : memref<40000xi32, #tpu.memory_space<vmem>>, vector<16xi32>,
      %get3A_121 = arith.index_cast %mul3A_117 : i32 to index
      %get3A_122 = tpu.vector_load %arg5[%get3A_121] {strides = array<i32>} : memref<20000xi32, #tpu.memory_space<vmem>>, vector<16xi32>,
      %gather3A_123 = tpu.vector_load_idx %arg6[%get3A_122] : memref<10240xf32, #tpu.memory_space<vmem>>[vector<16xi32>], vector<16xf32>,
      %mul3A_124 = arith.constant 10 : i32
      %mul3A_125 = arith.muli %scan3A_53, %mul3A_124 : i32
      %add3A_126 = arith.constant 6 : i32
      %add3A_127 = arith.addi %mul3A_125, %add3A_126 : i32
      %mul3A_128 = arith.constant 16 : i32
      %mul3A_129 = arith.muli %add3A_127, %mul3A_128 : i32
      %add3A_130 = arith.addi %mul3A_37, %mul3A_129 : i32
      %get3A_131 = arith.index_cast %add3A_130 : i32 to index
      %get3A_132 = tpu.vector_load %arg4[%get3A_131] {strides = array<i32>} : memref<40000xi32, #tpu.memory_space<vmem>>, vector<16xi32>,
      %get3A_133 = arith.index_cast %mul3A_129 : i32 to index
      %get3A_134 = tpu.vector_load %arg5[%get3A_133] {strides = array<i32>} : memref<20000xi32, #tpu.memory_space<vmem>>, vector<16xi32>,
      %gather3A_135 = tpu.vector_load_idx %arg6[%get3A_134] : memref<10240xf32, #tpu.memory_space<vmem>>[vector<16xi32>], vector<16xf32>,
      %mul3A_136 = arith.constant 10 : i32
      %mul3A_137 = arith.muli %scan3A_53, %mul3A_136 : i32
      %add3A_138 = arith.constant 7 : i32
      %add3A_139 = arith.addi %mul3A_137, %add3A_138 : i32
      %mul3A_140 = arith.constant 16 : i32
      %mul3A_141 = arith.muli %add3A_139, %mul3A_140 : i32
      %add3A_142 = arith.addi %mul3A_37, %mul3A_141 : i32
      %get3A_143 = arith.index_cast %add3A_142 : i32 to index
      %get3A_144 = tpu.vector_load %arg4[%get3A_143] {strides = array<i32>} : memref<40000xi32, #tpu.memory_space<vmem>>, vector<16xi32>,
      %get3A_145 = arith.index_cast %mul3A_141 : i32 to index
      %get3A_146 = tpu.vector_load %arg5[%get3A_145] {strides = array<i32>} : memref<20000xi32, #tpu.memory_space<vmem>>, vector<16xi32>,
      %gather3A_147 = tpu.vector_load_idx %arg6[%get3A_146] : memref<10240xf32, #tpu.memory_space<vmem>>[vector<16xi32>], vector<16xf32>,
      %mul3A_148 = arith.constant 10 : i32
      %mul3A_149 = arith.muli %scan3A_53, %mul3A_148 : i32
      %add3A_150 = arith.constant 8 : i32
      %add3A_151 = arith.addi %mul3A_149, %add3A_150 : i32
      %mul3A_152 = arith.constant 16 : i32
      %mul3A_153 = arith.muli %add3A_151, %mul3A_152 : i32
      %add3A_154 = arith.addi %mul3A_37, %mul3A_153 : i32
      %get3A_155 = arith.index_cast %add3A_154 : i32 to index
      %get3A_156 = tpu.vector_load %arg4[%get3A_155] {strides = array<i32>} : memref<40000xi32, #tpu.memory_space<vmem>>, vector<16xi32>,
      %get3A_157 = arith.index_cast %mul3A_153 : i32 to index
      %get3A_158 = tpu.vector_load %arg5[%get3A_157] {strides = array<i32>} : memref<20000xi32, #tpu.memory_space<vmem>>, vector<16xi32>,
      %gather3A_159 = tpu.vector_load_idx %arg6[%get3A_158] : memref<10240xf32, #tpu.memory_space<vmem>>[vector<16xi32>], vector<16xf32>,
      %mul3A_160 = arith.constant 10 : i32
      %mul3A_161 = arith.muli %scan3A_53, %mul3A_160 : i32
      %add3A_162 = arith.constant 9 : i32
      %add3A_163 = arith.addi %mul3A_161, %add3A_162 : i32
      %mul3A_164 = arith.constant 16 : i32
      %mul3A_165 = arith.muli %add3A_163, %mul3A_164 : i32
      %add3A_166 = arith.addi %mul3A_37, %mul3A_165 : i32
      %get3A_167 = arith.index_cast %add3A_166 : i32 to index
      %get3A_168 = tpu.vector_load %arg4[%get3A_167] {strides = array<i32>} : memref<40000xi32, #tpu.memory_space<vmem>>, vector<16xi32>,
      %get3A_169 = arith.index_cast %mul3A_165 : i32 to index
      %get3A_170 = tpu.vector_load %arg5[%get3A_169] {strides = array<i32>} : memref<20000xi32, #tpu.memory_space<vmem>>, vector<16xi32>,
      %gather3A_171 = tpu.vector_load_idx %arg6[%get3A_170] : memref<10240xf32, #tpu.memory_space<vmem>>[vector<16xi32>], vector<16xf32>,
      tpu.vector_store_idx %arg7[%get3A_61], %gather3A {add = true} : memref<10240xf32, #tpu.memory_space<vmem>>[vector<16xi32>], vector<16xf32>,
      %eq3A = arith.cmpi eq, %get3A_61, %get3A_63 : vector<16xi32>
      tpu.vector_store_idx %arg8[%get3A_61], %broadcast_in_dim3A_18 masked %eq3A {add = true} : memref<10240xf32, #tpu.memory_space<vmem>>[vector<16xi32>], vector<16xf32>, vector<16xi1>
      tpu.vector_store_idx %arg7[%get3A_72], %gather3A_75 {add = true} : memref<10240xf32, #tpu.memory_space<vmem>>[vector<16xi32>], vector<16xf32>,
      %eq3A_172 = arith.cmpi eq, %get3A_72, %get3A_74 : vector<16xi32>
      tpu.vector_store_idx %arg8[%get3A_72], %broadcast_in_dim3A_18 masked %eq3A_172 {add = true} : memref<10240xf32, #tpu.memory_space<vmem>>[vector<16xi32>], vector<16xf32>, vector<16xi1>
      tpu.vector_store_idx %arg7[%get3A_84], %gather3A_87 {add = true} : memref<10240xf32, #tpu.memory_space<vmem>>[vector<16xi32>], vector<16xf32>,
      %eq3A_173 = arith.cmpi eq, %get3A_84, %get3A_86 : vector<16xi32>
      tpu.vector_store_idx %arg8[%get3A_84], %broadcast_in_dim3A_18 masked %eq3A_173 {add = true} : memref<10240xf32, #tpu.memory_space<vmem>>[vector<16xi32>], vector<16xf32>, vector<16xi1>
      tpu.vector_store_idx %arg7[%get3A_96], %gather3A_99 {add = true} : memref<10240xf32, #tpu.memory_space<vmem>>[vector<16xi32>], vector<16xf32>,
      %eq3A_174 = arith.cmpi eq, %get3A_96, %get3A_98 : vector<16xi32>
      tpu.vector_store_idx %arg8[%get3A_96], %broadcast_in_dim3A_18 masked %eq3A_174 {add = true} : memref<10240xf32, #tpu.memory_space<vmem>>[vector<16xi32>], vector<16xf32>, vector<16xi1>
      tpu.vector_store_idx %arg7[%get3A_108], %gather3A_111 {add = true} : memref<10240xf32, #tpu.memory_space<vmem>>[vector<16xi32>], vector<16xf32>,
      %eq3A_175 = arith.cmpi eq, %get3A_108, %get3A_110 : vector<16xi32>
      tpu.vector_store_idx %arg8[%get3A_108], %broadcast_in_dim3A_18 masked %eq3A_175 {add = true} : memref<10240xf32, #tpu.memory_space<vmem>>[vector<16xi32>], vector<16xf32>, vector<16xi1>
      tpu.vector_store_idx %arg7[%get3A_120], %gather3A_123 {add = true} : memref<10240xf32, #tpu.memory_space<vmem>>[vector<16xi32>], vector<16xf32>,
      %eq3A_176 = arith.cmpi eq, %get3A_120, %get3A_122 : vector<16xi32>
      tpu.vector_store_idx %arg8[%get3A_120], %broadcast_in_dim3A_18 masked %eq3A_176 {add = true} : memref<10240xf32, #tpu.memory_space<vmem>>[vector<16xi32>], vector<16xf32>, vector<16xi1>
      tpu.vector_store_idx %arg7[%get3A_132], %gather3A_135 {add = true} : memref<10240xf32, #tpu.memory_space<vmem>>[vector<16xi32>], vector<16xf32>,
      %eq3A_177 = arith.cmpi eq, %get3A_132, %get3A_134 : vector<16xi32>
      tpu.vector_store_idx %arg8[%get3A_132], %broadcast_in_dim3A_18 masked %eq3A_177 {add = true} : memref<10240xf32, #tpu.memory_space<vmem>>[vector<16xi32>], vector<16xf32>, vector<16xi1>
      tpu.vector_store_idx %arg7[%get3A_144], %gather3A_147 {add = true} : memref<10240xf32, #tpu.memory_space<vmem>>[vector<16xi32>], vector<16xf32>,
      %eq3A_178 = arith.cmpi eq, %get3A_144, %get3A_146 : vector<16xi32>
      tpu.vector_store_idx %arg8[%get3A_144], %broadcast_in_dim3A_18 masked %eq3A_178 {add = true} : memref<10240xf32, #tpu.memory_space<vmem>>[vector<16xi32>], vector<16xf32>, vector<16xi1>
      tpu.vector_store_idx %arg7[%get3A_156], %gather3A_159 {add = true} : memref<10240xf32, #tpu.memory_space<vmem>>[vector<16xi32>], vector<16xf32>,
      %eq3A_179 = arith.cmpi eq, %get3A_156, %get3A_158 : vector<16xi32>
      tpu.vector_store_idx %arg8[%get3A_156], %broadcast_in_dim3A_18 masked %eq3A_179 {add = true} : memref<10240xf32, #tpu.memory_space<vmem>>[vector<16xi32>], vector<16xf32>, vector<16xi1>
      tpu.vector_store_idx %arg7[%get3A_168], %gather3A_171 {add = true} : memref<10240xf32, #tpu.memory_space<vmem>>[vector<16xi32>], vector<16xf32>,
      %eq3A_180 = arith.cmpi eq, %get3A_168, %get3A_170 : vector<16xi32>
      tpu.vector_store_idx %arg8[%get3A_168], %broadcast_in_dim3A_18 masked %eq3A_180 {add = true} : memref<10240xf32, #tpu.memory_space<vmem>>[vector<16xi32>], vector<16xf32>, vector<16xi1>
    }
    %scan3A_43 = arith.constant 125 : i32
    "tpu.region"() ({
      %run_scoped3A = tpu.sem_alloc : memref<!tpu.dma_semaphore, #tpu.memory_space<semaphore_mem>>
      %dma_start3A_53 = arith.constant 0 : i32
      %dma_start3A_54 = tpu.memref_slice %arg11[%arg1, %dma_start3A_53] : memref<16x10240xf32, #tpu.memory_space<vmem_shared>> -> memref<1x10240xf32, #tpu.memory_space<vmem_shared>>
      %dma_start3A_55 = tpu.memref_squeeze %dma_start3A_54 : memref<1x10240xf32, #tpu.memory_space<vmem_shared>> -> memref<10240xf32, #tpu.memory_space<vmem_shared>>
      %dma_start3A_56 = arith.constant 0 : i32
      %dma_start3A_57 = tpu.memref_slice %arg11[%arg1, %dma_start3A_56] : memref<16x10240xf32, #tpu.memory_space<vmem_shared>> -> memref<1x10240xf32, #tpu.memory_space<vmem_shared>>
      %dma_start3A_58 = tpu.memref_squeeze %dma_start3A_57 : memref<1x10240xf32, #tpu.memory_space<vmem_shared>> -> memref<10240xf32, #tpu.memory_space<vmem_shared>>
      tpu.enqueue_dma source(%arg7 : memref<10240xf32, #tpu.memory_space<vmem>>) target(%dma_start3A_58 : memref<10240xf32, #tpu.memory_space<vmem_shared>>) target_semaphore(%run_scoped3A : memref<!tpu.dma_semaphore, #tpu.memory_space<semaphore_mem>>)
      %dma_wait3A_59 = arith.constant 0 : i32
      %dma_wait3A_60 = tpu.memref_slice %arg11[%arg1, %dma_wait3A_59] : memref<16x10240xf32, #tpu.memory_space<vmem_shared>> -> memref<1x10240xf32, #tpu.memory_space<vmem_shared>>
      %dma_wait3A_61 = tpu.memref_squeeze %dma_wait3A_60 : memref<1x10240xf32, #tpu.memory_space<vmem_shared>> -> memref<10240xf32, #tpu.memory_space<vmem_shared>>
      %dma_wait3A_62 = arith.constant 0 : i32
      %dma_wait3A_63 = tpu.memref_slice %arg11[%arg1, %dma_wait3A_62] : memref<16x10240xf32, #tpu.memory_space<vmem_shared>> -> memref<1x10240xf32, #tpu.memory_space<vmem_shared>>
      %dma_wait3A_64 = tpu.memref_squeeze %dma_wait3A_63 : memref<1x10240xf32, #tpu.memory_space<vmem_shared>> -> memref<10240xf32, #tpu.memory_space<vmem_shared>>
      tpu.wait_dma2 semaphore(%run_scoped3A : memref<!tpu.dma_semaphore, #tpu.memory_space<semaphore_mem>>) src(%arg7 : memref<10240xf32, #tpu.memory_space<vmem>>) dst(%dma_wait3A_64 : memref<10240xf32, #tpu.memory_space<vmem_shared>>)
      tpu.yield
    }) : () -> ()
    %barrier3A_44 = arith.constant 0 : index
    tpu.barrier barrier_id(%barrier3A_44)
    "tpu.region"() ({
      %run_scoped3A = tpu.sem_alloc : memref<!tpu.dma_semaphore, #tpu.memory_space<semaphore_mem>>
      %dma_start3A_53 = arith.constant 0 : i32
      %dma_start3A_54 = tpu.memref_slice %arg11[%dma_start3A_53, %mul3A_26] : memref<16x10240xf32, #tpu.memory_space<vmem_shared>> -> memref<16x640xf32, #tpu.memory_space<vmem_shared>>
      %dma_start3A_55 = arith.constant 0 : i32
      %dma_start3A_56 = tpu.memref_slice %arg11[%dma_start3A_55, %mul3A_26] : memref<16x10240xf32, #tpu.memory_space<vmem_shared>> -> memref<16x640xf32, #tpu.memory_space<vmem_shared>>
      tpu.enqueue_dma source(%dma_start3A_56 : memref<16x640xf32, #tpu.memory_space<vmem_shared>>) target(%arg9 : memref<16x640xf32, #tpu.memory_space<vmem>>) target_semaphore(%run_scoped3A : memref<!tpu.dma_semaphore, #tpu.memory_space<semaphore_mem>>)
      %dma_wait3A_57 = arith.constant 0 : i32
      %dma_wait3A_58 = tpu.memref_slice %arg11[%dma_wait3A_57, %mul3A_26] : memref<16x10240xf32, #tpu.memory_space<vmem_shared>> -> memref<16x640xf32, #tpu.memory_space<vmem_shared>>
      %dma_wait3A_59 = arith.constant 0 : i32
      %dma_wait3A_60 = tpu.memref_slice %arg11[%dma_wait3A_59, %mul3A_26] : memref<16x10240xf32, #tpu.memory_space<vmem_shared>> -> memref<16x640xf32, #tpu.memory_space<vmem_shared>>
      tpu.wait_dma2 semaphore(%run_scoped3A : memref<!tpu.dma_semaphore, #tpu.memory_space<semaphore_mem>>) src(%dma_wait3A_60 : memref<16x640xf32, #tpu.memory_space<vmem_shared>>) dst(%arg9 : memref<16x640xf32, #tpu.memory_space<vmem>>)
      tpu.yield
    }) : () -> ()
    %barrier3A_45 = arith.constant 0 : index
    tpu.barrier barrier_id(%barrier3A_45)
    "tpu.region"() ({
      %run_scoped3A = tpu.sem_alloc : memref<!tpu.dma_semaphore, #tpu.memory_space<semaphore_mem>>
      %dma_start3A_53 = arith.constant 0 : i32
      %dma_start3A_54 = tpu.memref_slice %arg11[%arg1, %dma_start3A_53] : memref<16x10240xf32, #tpu.memory_space<vmem_shared>> -> memref<1x10240xf32, #tpu.memory_space<vmem_shared>>
      %dma_start3A_55 = tpu.memref_squeeze %dma_start3A_54 : memref<1x10240xf32, #tpu.memory_space<vmem_shared>> -> memref<10240xf32, #tpu.memory_space<vmem_shared>>
      %dma_start3A_56 = arith.constant 0 : i32
      %dma_start3A_57 = tpu.memref_slice %arg11[%arg1, %dma_start3A_56] : memref<16x10240xf32, #tpu.memory_space<vmem_shared>> -> memref<1x10240xf32, #tpu.memory_space<vmem_shared>>
      %dma_start3A_58 = tpu.memref_squeeze %dma_start3A_57 : memref<1x10240xf32, #tpu.memory_space<vmem_shared>> -> memref<10240xf32, #tpu.memory_space<vmem_shared>>
      tpu.enqueue_dma source(%arg8 : memref<10240xf32, #tpu.memory_space<vmem>>) target(%dma_start3A_58 : memref<10240xf32, #tpu.memory_space<vmem_shared>>) target_semaphore(%run_scoped3A : memref<!tpu.dma_semaphore, #tpu.memory_space<semaphore_mem>>)
      %dma_wait3A_59 = arith.constant 0 : i32
      %dma_wait3A_60 = tpu.memref_slice %arg11[%arg1, %dma_wait3A_59] : memref<16x10240xf32, #tpu.memory_space<vmem_shared>> -> memref<1x10240xf32, #tpu.memory_space<vmem_shared>>
      %dma_wait3A_61 = tpu.memref_squeeze %dma_wait3A_60 : memref<1x10240xf32, #tpu.memory_space<vmem_shared>> -> memref<10240xf32, #tpu.memory_space<vmem_shared>>
      %dma_wait3A_62 = arith.constant 0 : i32
      %dma_wait3A_63 = tpu.memref_slice %arg11[%arg1, %dma_wait3A_62] : memref<16x10240xf32, #tpu.memory_space<vmem_shared>> -> memref<1x10240xf32, #tpu.memory_space<vmem_shared>>
      %dma_wait3A_64 = tpu.memref_squeeze %dma_wait3A_63 : memref<1x10240xf32, #tpu.memory_space<vmem_shared>> -> memref<10240xf32, #tpu.memory_space<vmem_shared>>
      tpu.wait_dma2 semaphore(%run_scoped3A : memref<!tpu.dma_semaphore, #tpu.memory_space<semaphore_mem>>) src(%arg8 : memref<10240xf32, #tpu.memory_space<vmem>>) dst(%dma_wait3A_64 : memref<10240xf32, #tpu.memory_space<vmem_shared>>)
      tpu.yield
    }) : () -> ()
    %barrier3A_46 = arith.constant 0 : index
    tpu.barrier barrier_id(%barrier3A_46)
    "tpu.region"() ({
      %run_scoped3A = tpu.sem_alloc : memref<!tpu.dma_semaphore, #tpu.memory_space<semaphore_mem>>
      %dma_start3A_53 = arith.constant 0 : i32
      %dma_start3A_54 = tpu.memref_slice %arg11[%dma_start3A_53, %mul3A_26] : memref<16x10240xf32, #tpu.memory_space<vmem_shared>> -> memref<16x640xf32, #tpu.memory_space<vmem_shared>>
      %dma_start3A_55 = arith.constant 0 : i32
      %dma_start3A_56 = tpu.memref_slice %arg11[%dma_start3A_55, %mul3A_26] : memref<16x10240xf32, #tpu.memory_space<vmem_shared>> -> memref<16x640xf32, #tpu.memory_space<vmem_shared>>
      tpu.enqueue_dma source(%dma_start3A_56 : memref<16x640xf32, #tpu.memory_space<vmem_shared>>) target(%arg10 : memref<16x640xf32, #tpu.memory_space<vmem>>) target_semaphore(%run_scoped3A : memref<!tpu.dma_semaphore, #tpu.memory_space<semaphore_mem>>)
      %dma_wait3A_57 = arith.constant 0 : i32
      %dma_wait3A_58 = tpu.memref_slice %arg11[%dma_wait3A_57, %mul3A_26] : memref<16x10240xf32, #tpu.memory_space<vmem_shared>> -> memref<16x640xf32, #tpu.memory_space<vmem_shared>>
      %dma_wait3A_59 = arith.constant 0 : i32
      %dma_wait3A_60 = tpu.memref_slice %arg11[%dma_wait3A_59, %mul3A_26] : memref<16x10240xf32, #tpu.memory_space<vmem_shared>> -> memref<16x640xf32, #tpu.memory_space<vmem_shared>>
      tpu.wait_dma2 semaphore(%run_scoped3A : memref<!tpu.dma_semaphore, #tpu.memory_space<semaphore_mem>>) src(%dma_wait3A_60 : memref<16x640xf32, #tpu.memory_space<vmem_shared>>) dst(%arg10 : memref<16x640xf32, #tpu.memory_space<vmem>>)
      tpu.yield
    }) : () -> ()
    %scan3A_47 = arith.constant 0 : i32
    %scan3A_48 = arith.constant 0 : i32
    %scan3A_49 = arith.constant 40 : i32
    %scan3A_50 = arith.addi %scan3A_48, %scan3A_49 : i32
    %scan3A_51 = arith.constant 1 : i32
    scf.for %scan3A_53 = %scan3A_48 to %scan3A_50 step %scan3A_51  : i32 {
      %mul3A_54 = arith.constant 16 : i32
      %mul3A_55 = arith.muli %scan3A_53, %mul3A_54 : i32
      %get3A = arith.constant 0 : i32
      %get3A_56 = arith.index_cast %get3A : i32 to index
      %get3A_57 = arith.index_cast %mul3A_55 : i32 to index
      %get3A_58 = tpu.vector_load %arg9[%get3A_56, %get3A_57] {strides = array<i32>} : memref<16x640xf32, #tpu.memory_space<vmem>>, vector<16xf32>,
      %mul3A_59 = arith.constant 16 : i32
      %mul3A_60 = arith.muli %scan3A_53, %mul3A_59 : i32
      %get3A_61 = arith.constant 0 : i32
      %get3A_62 = arith.index_cast %get3A_61 : i32 to index
      %get3A_63 = arith.index_cast %mul3A_60 : i32 to index
      %get3A_64 = tpu.vector_load %arg10[%get3A_62, %get3A_63] {strides = array<i32>} : memref<16x640xf32, #tpu.memory_space<vmem>>, vector<16xf32>,
      %mul3A_65 = arith.constant 16 : i32
      %mul3A_66 = arith.muli %scan3A_53, %mul3A_65 : i32
      %get3A_67 = arith.constant 1 : i32
      %get3A_68 = arith.index_cast %get3A_67 : i32 to index
      %get3A_69 = arith.index_cast %mul3A_66 : i32 to index
      %get3A_70 = tpu.vector_load %arg9[%get3A_68, %get3A_69] {strides = array<i32>} : memref<16x640xf32, #tpu.memory_space<vmem>>, vector<16xf32>,
      %add3A_71 = arith.addf %get3A_58, %get3A_70 : vector<16xf32>
      %mul3A_72 = arith.constant 16 : i32
      %mul3A_73 = arith.muli %scan3A_53, %mul3A_72 : i32
      %get3A_74 = arith.constant 1 : i32
      %get3A_75 = arith.index_cast %get3A_74 : i32 to index
      %get3A_76 = arith.index_cast %mul3A_73 : i32 to index
      %get3A_77 = tpu.vector_load %arg10[%get3A_75, %get3A_76] {strides = array<i32>} : memref<16x640xf32, #tpu.memory_space<vmem>>, vector<16xf32>,
      %add3A_78 = arith.addf %get3A_64, %get3A_77 : vector<16xf32>
      %mul3A_79 = arith.constant 16 : i32
      %mul3A_80 = arith.muli %scan3A_53, %mul3A_79 : i32
      %get3A_81 = arith.constant 2 : i32
      %get3A_82 = arith.index_cast %get3A_81 : i32 to index
      %get3A_83 = arith.index_cast %mul3A_80 : i32 to index
      %get3A_84 = tpu.vector_load %arg9[%get3A_82, %get3A_83] {strides = array<i32>} : memref<16x640xf32, #tpu.memory_space<vmem>>, vector<16xf32>,
      %add3A_85 = arith.addf %add3A_71, %get3A_84 : vector<16xf32>
      %mul3A_86 = arith.constant 16 : i32
      %mul3A_87 = arith.muli %scan3A_53, %mul3A_86 : i32
      %get3A_88 = arith.constant 2 : i32
      %get3A_89 = arith.index_cast %get3A_88 : i32 to index
      %get3A_90 = arith.index_cast %mul3A_87 : i32 to index
      %get3A_91 = tpu.vector_load %arg10[%get3A_89, %get3A_90] {strides = array<i32>} : memref<16x640xf32, #tpu.memory_space<vmem>>, vector<16xf32>,
      %add3A_92 = arith.addf %add3A_78, %get3A_91 : vector<16xf32>
      %mul3A_93 = arith.constant 16 : i32
      %mul3A_94 = arith.muli %scan3A_53, %mul3A_93 : i32
      %get3A_95 = arith.constant 3 : i32
      %get3A_96 = arith.index_cast %get3A_95 : i32 to index
      %get3A_97 = arith.index_cast %mul3A_94 : i32 to index
      %get3A_98 = tpu.vector_load %arg9[%get3A_96, %get3A_97] {strides = array<i32>} : memref<16x640xf32, #tpu.memory_space<vmem>>, vector<16xf32>,
      %add3A_99 = arith.addf %add3A_85, %get3A_98 : vector<16xf32>
      %mul3A_100 = arith.constant 16 : i32
      %mul3A_101 = arith.muli %scan3A_53, %mul3A_100 : i32
      %get3A_102 = arith.constant 3 : i32
      %get3A_103 = arith.index_cast %get3A_102 : i32 to index
      %get3A_104 = arith.index_cast %mul3A_101 : i32 to index
      %get3A_105 = tpu.vector_load %arg10[%get3A_103, %get3A_104] {strides = array<i32>} : memref<16x640xf32, #tpu.memory_space<vmem>>, vector<16xf32>,
      %add3A_106 = arith.addf %add3A_92, %get3A_105 : vector<16xf32>
      %mul3A_107 = arith.constant 16 : i32
      %mul3A_108 = arith.muli %scan3A_53, %mul3A_107 : i32
      %get3A_109 = arith.constant 4 : i32
      %get3A_110 = arith.index_cast %get3A_109 : i32 to index
      %get3A_111 = arith.index_cast %mul3A_108 : i32 to index
      %get3A_112 = tpu.vector_load %arg9[%get3A_110, %get3A_111] {strides = array<i32>} : memref<16x640xf32, #tpu.memory_space<vmem>>, vector<16xf32>,
      %add3A_113 = arith.addf %add3A_99, %get3A_112 : vector<16xf32>
      %mul3A_114 = arith.constant 16 : i32
      %mul3A_115 = arith.muli %scan3A_53, %mul3A_114 : i32
      %get3A_116 = arith.constant 4 : i32
      %get3A_117 = arith.index_cast %get3A_116 : i32 to index
      %get3A_118 = arith.index_cast %mul3A_115 : i32 to index
      %get3A_119 = tpu.vector_load %arg10[%get3A_117, %get3A_118] {strides = array<i32>} : memref<16x640xf32, #tpu.memory_space<vmem>>, vector<16xf32>,
      %add3A_120 = arith.addf %add3A_106, %get3A_119 : vector<16xf32>
      %mul3A_121 = arith.constant 16 : i32
      %mul3A_122 = arith.muli %scan3A_53, %mul3A_121 : i32
      %get3A_123 = arith.constant 5 : i32
      %get3A_124 = arith.index_cast %get3A_123 : i32 to index
      %get3A_125 = arith.index_cast %mul3A_122 : i32 to index
      %get3A_126 = tpu.vector_load %arg9[%get3A_124, %get3A_125] {strides = array<i32>} : memref<16x640xf32, #tpu.memory_space<vmem>>, vector<16xf32>,
      %add3A_127 = arith.addf %add3A_113, %get3A_126 : vector<16xf32>
      %mul3A_128 = arith.constant 16 : i32
      %mul3A_129 = arith.muli %scan3A_53, %mul3A_128 : i32
      %get3A_130 = arith.constant 5 : i32
      %get3A_131 = arith.index_cast %get3A_130 : i32 to index
      %get3A_132 = arith.index_cast %mul3A_129 : i32 to index
      %get3A_133 = tpu.vector_load %arg10[%get3A_131, %get3A_132] {strides = array<i32>} : memref<16x640xf32, #tpu.memory_space<vmem>>, vector<16xf32>,
      %add3A_134 = arith.addf %add3A_120, %get3A_133 : vector<16xf32>
      %mul3A_135 = arith.constant 16 : i32
      %mul3A_136 = arith.muli %scan3A_53, %mul3A_135 : i32
      %get3A_137 = arith.constant 6 : i32
      %get3A_138 = arith.index_cast %get3A_137 : i32 to index
      %get3A_139 = arith.index_cast %mul3A_136 : i32 to index
      %get3A_140 = tpu.vector_load %arg9[%get3A_138, %get3A_139] {strides = array<i32>} : memref<16x640xf32, #tpu.memory_space<vmem>>, vector<16xf32>,
      %add3A_141 = arith.addf %add3A_127, %get3A_140 : vector<16xf32>
      %mul3A_142 = arith.constant 16 : i32
      %mul3A_143 = arith.muli %scan3A_53, %mul3A_142 : i32
      %get3A_144 = arith.constant 6 : i32
      %get3A_145 = arith.index_cast %get3A_144 : i32 to index
      %get3A_146 = arith.index_cast %mul3A_143 : i32 to index
      %get3A_147 = tpu.vector_load %arg10[%get3A_145, %get3A_146] {strides = array<i32>} : memref<16x640xf32, #tpu.memory_space<vmem>>, vector<16xf32>,
      %add3A_148 = arith.addf %add3A_134, %get3A_147 : vector<16xf32>
      %mul3A_149 = arith.constant 16 : i32
      %mul3A_150 = arith.muli %scan3A_53, %mul3A_149 : i32
      %get3A_151 = arith.constant 7 : i32
      %get3A_152 = arith.index_cast %get3A_151 : i32 to index
      %get3A_153 = arith.index_cast %mul3A_150 : i32 to index
      %get3A_154 = tpu.vector_load %arg9[%get3A_152, %get3A_153] {strides = array<i32>} : memref<16x640xf32, #tpu.memory_space<vmem>>, vector<16xf32>,
      %add3A_155 = arith.addf %add3A_141, %get3A_154 : vector<16xf32>
      %mul3A_156 = arith.constant 16 : i32
      %mul3A_157 = arith.muli %scan3A_53, %mul3A_156 : i32
      %get3A_158 = arith.constant 7 : i32
      %get3A_159 = arith.index_cast %get3A_158 : i32 to index
      %get3A_160 = arith.index_cast %mul3A_157 : i32 to index
      %get3A_161 = tpu.vector_load %arg10[%get3A_159, %get3A_160] {strides = array<i32>} : memref<16x640xf32, #tpu.memory_space<vmem>>, vector<16xf32>,
      %add3A_162 = arith.addf %add3A_148, %get3A_161 : vector<16xf32>
      %mul3A_163 = arith.constant 16 : i32
      %mul3A_164 = arith.muli %scan3A_53, %mul3A_163 : i32
      %get3A_165 = arith.constant 8 : i32
      %get3A_166 = arith.index_cast %get3A_165 : i32 to index
      %get3A_167 = arith.index_cast %mul3A_164 : i32 to index
      %get3A_168 = tpu.vector_load %arg9[%get3A_166, %get3A_167] {strides = array<i32>} : memref<16x640xf32, #tpu.memory_space<vmem>>, vector<16xf32>,
      %add3A_169 = arith.addf %add3A_155, %get3A_168 : vector<16xf32>
      %mul3A_170 = arith.constant 16 : i32
      %mul3A_171 = arith.muli %scan3A_53, %mul3A_170 : i32
      %get3A_172 = arith.constant 8 : i32
      %get3A_173 = arith.index_cast %get3A_172 : i32 to index
      %get3A_174 = arith.index_cast %mul3A_171 : i32 to index
      %get3A_175 = tpu.vector_load %arg10[%get3A_173, %get3A_174] {strides = array<i32>} : memref<16x640xf32, #tpu.memory_space<vmem>>, vector<16xf32>,
      %add3A_176 = arith.addf %add3A_162, %get3A_175 : vector<16xf32>
      %mul3A_177 = arith.constant 16 : i32
      %mul3A_178 = arith.muli %scan3A_53, %mul3A_177 : i32
      %get3A_179 = arith.constant 9 : i32
      %get3A_180 = arith.index_cast %get3A_179 : i32 to index
      %get3A_181 = arith.index_cast %mul3A_178 : i32 to index
      %get3A_182 = tpu.vector_load %arg9[%get3A_180, %get3A_181] {strides = array<i32>} : memref<16x640xf32, #tpu.memory_space<vmem>>, vector<16xf32>,
      %add3A_183 = arith.addf %add3A_169, %get3A_182 : vector<16xf32>
      %mul3A_184 = arith.constant 16 : i32
      %mul3A_185 = arith.muli %scan3A_53, %mul3A_184 : i32
      %get3A_186 = arith.constant 9 : i32
      %get3A_187 = arith.index_cast %get3A_186 : i32 to index
      %get3A_188 = arith.index_cast %mul3A_185 : i32 to index
      %get3A_189 = tpu.vector_load %arg10[%get3A_187, %get3A_188] {strides = array<i32>} : memref<16x640xf32, #tpu.memory_space<vmem>>, vector<16xf32>,
      %add3A_190 = arith.addf %add3A_176, %get3A_189 : vector<16xf32>
      %mul3A_191 = arith.constant 16 : i32
      %mul3A_192 = arith.muli %scan3A_53, %mul3A_191 : i32
      %get3A_193 = arith.constant 10 : i32
      %get3A_194 = arith.index_cast %get3A_193 : i32 to index
      %get3A_195 = arith.index_cast %mul3A_192 : i32 to index
      %get3A_196 = tpu.vector_load %arg9[%get3A_194, %get3A_195] {strides = array<i32>} : memref<16x640xf32, #tpu.memory_space<vmem>>, vector<16xf32>,
      %add3A_197 = arith.addf %add3A_183, %get3A_196 : vector<16xf32>
      %mul3A_198 = arith.constant 16 : i32
      %mul3A_199 = arith.muli %scan3A_53, %mul3A_198 : i32
      %get3A_200 = arith.constant 10 : i32
      %get3A_201 = arith.index_cast %get3A_200 : i32 to index
      %get3A_202 = arith.index_cast %mul3A_199 : i32 to index
      %get3A_203 = tpu.vector_load %arg10[%get3A_201, %get3A_202] {strides = array<i32>} : memref<16x640xf32, #tpu.memory_space<vmem>>, vector<16xf32>,
      %add3A_204 = arith.addf %add3A_190, %get3A_203 : vector<16xf32>
      %mul3A_205 = arith.constant 16 : i32
      %mul3A_206 = arith.muli %scan3A_53, %mul3A_205 : i32
      %get3A_207 = arith.constant 11 : i32
      %get3A_208 = arith.index_cast %get3A_207 : i32 to index
      %get3A_209 = arith.index_cast %mul3A_206 : i32 to index
      %get3A_210 = tpu.vector_load %arg9[%get3A_208, %get3A_209] {strides = array<i32>} : memref<16x640xf32, #tpu.memory_space<vmem>>, vector<16xf32>,
      %add3A_211 = arith.addf %add3A_197, %get3A_210 : vector<16xf32>
      %mul3A_212 = arith.constant 16 : i32
      %mul3A_213 = arith.muli %scan3A_53, %mul3A_212 : i32
      %get3A_214 = arith.constant 11 : i32
      %get3A_215 = arith.index_cast %get3A_214 : i32 to index
      %get3A_216 = arith.index_cast %mul3A_213 : i32 to index
      %get3A_217 = tpu.vector_load %arg10[%get3A_215, %get3A_216] {strides = array<i32>} : memref<16x640xf32, #tpu.memory_space<vmem>>, vector<16xf32>,
      %add3A_218 = arith.addf %add3A_204, %get3A_217 : vector<16xf32>
      %mul3A_219 = arith.constant 16 : i32
      %mul3A_220 = arith.muli %scan3A_53, %mul3A_219 : i32
      %get3A_221 = arith.constant 12 : i32
      %get3A_222 = arith.index_cast %get3A_221 : i32 to index
      %get3A_223 = arith.index_cast %mul3A_220 : i32 to index
      %get3A_224 = tpu.vector_load %arg9[%get3A_222, %get3A_223] {strides = array<i32>} : memref<16x640xf32, #tpu.memory_space<vmem>>, vector<16xf32>,
      %add3A_225 = arith.addf %add3A_211, %get3A_224 : vector<16xf32>
      %mul3A_226 = arith.constant 16 : i32
      %mul3A_227 = arith.muli %scan3A_53, %mul3A_226 : i32
      %get3A_228 = arith.constant 12 : i32
      %get3A_229 = arith.index_cast %get3A_228 : i32 to index
      %get3A_230 = arith.index_cast %mul3A_227 : i32 to index
      %get3A_231 = tpu.vector_load %arg10[%get3A_229, %get3A_230] {strides = array<i32>} : memref<16x640xf32, #tpu.memory_space<vmem>>, vector<16xf32>,
      %add3A_232 = arith.addf %add3A_218, %get3A_231 : vector<16xf32>
      %mul3A_233 = arith.constant 16 : i32
      %mul3A_234 = arith.muli %scan3A_53, %mul3A_233 : i32
      %get3A_235 = arith.constant 13 : i32
      %get3A_236 = arith.index_cast %get3A_235 : i32 to index
      %get3A_237 = arith.index_cast %mul3A_234 : i32 to index
      %get3A_238 = tpu.vector_load %arg9[%get3A_236, %get3A_237] {strides = array<i32>} : memref<16x640xf32, #tpu.memory_space<vmem>>, vector<16xf32>,
      %add3A_239 = arith.addf %add3A_225, %get3A_238 : vector<16xf32>
      %mul3A_240 = arith.constant 16 : i32
      %mul3A_241 = arith.muli %scan3A_53, %mul3A_240 : i32
      %get3A_242 = arith.constant 13 : i32
      %get3A_243 = arith.index_cast %get3A_242 : i32 to index
      %get3A_244 = arith.index_cast %mul3A_241 : i32 to index
      %get3A_245 = tpu.vector_load %arg10[%get3A_243, %get3A_244] {strides = array<i32>} : memref<16x640xf32, #tpu.memory_space<vmem>>, vector<16xf32>,
      %add3A_246 = arith.addf %add3A_232, %get3A_245 : vector<16xf32>
      %mul3A_247 = arith.constant 16 : i32
      %mul3A_248 = arith.muli %scan3A_53, %mul3A_247 : i32
      %get3A_249 = arith.constant 14 : i32
      %get3A_250 = arith.index_cast %get3A_249 : i32 to index
      %get3A_251 = arith.index_cast %mul3A_248 : i32 to index
      %get3A_252 = tpu.vector_load %arg9[%get3A_250, %get3A_251] {strides = array<i32>} : memref<16x640xf32, #tpu.memory_space<vmem>>, vector<16xf32>,
      %add3A_253 = arith.addf %add3A_239, %get3A_252 : vector<16xf32>
      %mul3A_254 = arith.constant 16 : i32
      %mul3A_255 = arith.muli %scan3A_53, %mul3A_254 : i32
      %get3A_256 = arith.constant 14 : i32
      %get3A_257 = arith.index_cast %get3A_256 : i32 to index
      %get3A_258 = arith.index_cast %mul3A_255 : i32 to index
      %get3A_259 = tpu.vector_load %arg10[%get3A_257, %get3A_258] {strides = array<i32>} : memref<16x640xf32, #tpu.memory_space<vmem>>, vector<16xf32>,
      %add3A_260 = arith.addf %add3A_246, %get3A_259 : vector<16xf32>
      %mul3A_261 = arith.constant 16 : i32
      %mul3A_262 = arith.muli %scan3A_53, %mul3A_261 : i32
      %get3A_263 = arith.constant 15 : i32
      %get3A_264 = arith.index_cast %get3A_263 : i32 to index
      %get3A_265 = arith.index_cast %mul3A_262 : i32 to index
      %get3A_266 = tpu.vector_load %arg9[%get3A_264, %get3A_265] {strides = array<i32>} : memref<16x640xf32, #tpu.memory_space<vmem>>, vector<16xf32>,
      %add3A_267 = arith.addf %add3A_253, %get3A_266 : vector<16xf32>
      %mul3A_268 = arith.constant 16 : i32
      %mul3A_269 = arith.muli %scan3A_53, %mul3A_268 : i32
      %get3A_270 = arith.constant 15 : i32
      %get3A_271 = arith.index_cast %get3A_270 : i32 to index
      %get3A_272 = arith.index_cast %mul3A_269 : i32 to index
      %get3A_273 = tpu.vector_load %arg10[%get3A_271, %get3A_272] {strides = array<i32>} : memref<16x640xf32, #tpu.memory_space<vmem>>, vector<16xf32>,
      %add3A_274 = arith.addf %add3A_260, %get3A_273 : vector<16xf32>
      %mul3A_275 = arith.constant 16 : i32
      %mul3A_276 = arith.muli %scan3A_53, %mul3A_275 : i32
      %add3A_277 = arith.addi %mul3A_26, %mul3A_276 : i32
      %get3A_278 = arith.index_cast %add3A_277 : i32 to index
      %get3A_279 = tpu.vector_load %arg6[%get3A_278] {strides = array<i32>} : memref<10240xf32, #tpu.memory_space<vmem>>, vector<16xf32>,
      %mul3A_280 = arith.mulf %get3A_279, %add3A_267 : vector<16xf32>
      %neg3A = arith.constant 0.000000e+00 : f32
      %neg3A_281 = vector.broadcast %neg3A : f32 to vector<16xf32>
      %neg3A_282 = arith.subf %neg3A_281, %mul3A_280 : vector<16xf32>
      %sub3A = arith.subf %neg3A_282, %add3A_274 : vector<16xf32>
      %mul3A_283 = arith.constant 16 : i32
      %mul3A_284 = arith.muli %scan3A_53, %mul3A_283 : i32
      %add3A_285 = arith.addi %mul3A_26, %mul3A_284 : i32
      %swap3A = arith.index_cast %add3A_285 : i32 to index
      %swap3A_286 = tpu.vector_load %arg7[%swap3A] {strides = array<i32>} : memref<10240xf32, #tpu.memory_space<vmem>>, vector<16xf32>,
      tpu.vector_store %arg7[%swap3A], %sub3A {strides = array<i32>} : memref<10240xf32, #tpu.memory_space<vmem>>, vector<16xf32>,
    }
    %scan3A_52 = arith.constant 40 : i32
    "tpu.region"() ({
      %run_scoped3A = tpu.sem_alloc : memref<!tpu.dma_semaphore, #tpu.memory_space<semaphore_mem>>
      %dma_start3A_53 = tpu.memref_slice %arg7[%mul3A_26] : memref<10240xf32, #tpu.memory_space<vmem>> -> memref<640xf32, #tpu.memory_space<vmem>>
      %dma_start3A_54 = tpu.memref_slice %arg3[%arg0, %mul3A_26] : memref<2x10240xf32, #tpu.memory_space<hbm>> -> memref<1x640xf32, #tpu.memory_space<hbm>>
      %dma_start3A_55 = tpu.memref_squeeze %dma_start3A_54 : memref<1x640xf32, #tpu.memory_space<hbm>> -> memref<640xf32, #tpu.memory_space<hbm>>
      %dma_start3A_56 = tpu.memref_slice %arg3[%arg0, %mul3A_26] : memref<2x10240xf32, #tpu.memory_space<hbm>> -> memref<1x640xf32, #tpu.memory_space<hbm>>
      %dma_start3A_57 = tpu.memref_squeeze %dma_start3A_56 : memref<1x640xf32, #tpu.memory_space<hbm>> -> memref<640xf32, #tpu.memory_space<hbm>>
      %dma_start3A_58 = tpu.memref_slice %arg7[%mul3A_26] : memref<10240xf32, #tpu.memory_space<vmem>> -> memref<640xf32, #tpu.memory_space<vmem>>
      tpu.enqueue_dma source(%dma_start3A_58 : memref<640xf32, #tpu.memory_space<vmem>>) target(%dma_start3A_57 : memref<640xf32, #tpu.memory_space<hbm>>) target_semaphore(%run_scoped3A : memref<!tpu.dma_semaphore, #tpu.memory_space<semaphore_mem>>)
      %dma_wait3A_59 = tpu.memref_slice %arg7[%mul3A_26] : memref<10240xf32, #tpu.memory_space<vmem>> -> memref<640xf32, #tpu.memory_space<vmem>>
      %dma_wait3A_60 = tpu.memref_slice %arg3[%arg0, %mul3A_26] : memref<2x10240xf32, #tpu.memory_space<hbm>> -> memref<1x640xf32, #tpu.memory_space<hbm>>
      %dma_wait3A_61 = tpu.memref_squeeze %dma_wait3A_60 : memref<1x640xf32, #tpu.memory_space<hbm>> -> memref<640xf32, #tpu.memory_space<hbm>>
      %dma_wait3A_62 = tpu.memref_slice %arg3[%arg0, %mul3A_26] : memref<2x10240xf32, #tpu.memory_space<hbm>> -> memref<1x640xf32, #tpu.memory_space<hbm>>
      %dma_wait3A_63 = tpu.memref_squeeze %dma_wait3A_62 : memref<1x640xf32, #tpu.memory_space<hbm>> -> memref<640xf32, #tpu.memory_space<hbm>>
      %dma_wait3A_64 = tpu.memref_slice %arg7[%mul3A_26] : memref<10240xf32, #tpu.memory_space<vmem>> -> memref<640xf32, #tpu.memory_space<vmem>>
      tpu.wait_dma2 semaphore(%run_scoped3A : memref<!tpu.dma_semaphore, #tpu.memory_space<semaphore_mem>>) src(%dma_wait3A_64 : memref<640xf32, #tpu.memory_space<vmem>>) dst(%dma_wait3A_63 : memref<640xf32, #tpu.memory_space<hbm>>)
      tpu.yield
    }) : () -> ()
    return
  }
}

module attributes {stable_mosaic.version = 14 : i64} {
  func.func @_tc_final_body(%arg0: i32, %arg1: memref<2000x100xf32, #tpu.memory_space<vmem>>, %arg2: memref<2000x2xf32, #tpu.memory_space<vmem>>, %arg3: memref<100x200xf32, #tpu.memory_space<vmem>>, %arg4: memref<100x200xf32, #tpu.memory_space<vmem>>, %arg5: memref<1x200xf32, #tpu.memory_space<vmem>>, %arg6: memref<1x200xf32, #tpu.memory_space<vmem>>, %arg7: memref<3x100xf32, #tpu.memory_space<vmem>>) attributes {dimension_semantics = [#tpu.dimension_semantics<arbitrary>], iteration_bounds = array<i64: 5>, scalar_prefetch = 0 : i64, scratch_operands = 1 : i64, tpu.core_type = #tpu.core_type<tc>, window_params = [{transform_indices = @transform_0, window_bounds = array<i64: 2000, 100>}, {transform_indices = @transform_1, window_bounds = array<i64: 2000, 2>}, {pipeline_mode = #tpu.pipeline_mode<synchronous>, transform_indices = @transform_2, window_bounds = array<i64: 100, 200>}, {pipeline_mode = #tpu.pipeline_mode<synchronous>, transform_indices = @transform_3, window_bounds = array<i64: 100, 200>}, {pipeline_mode = #tpu.pipeline_mode<synchronous>, transform_indices = @transform_4, window_bounds = array<i64: 1, 200>}, {pipeline_mode = #tpu.pipeline_mode<synchronous>, transform_indices = @transform_5, window_bounds = array<i64: 1, 200>}]} {
    %eq3A = arith.constant 0 : i32
    %eq3A_0 = arith.cmpi eq, %arg0, %eq3A : i32
    %convert_element_type3A = arith.extui %eq3A_0 : i1 to i32
    %cond3A = arith.constant 0 : i32
    %cond3A_1 = arith.cmpi ne, %convert_element_type3A, %cond3A : i32
    scf.if %cond3A_1 {
      %broadcast_in_dim3A_26 = arith.constant 0.000000e+00 : f32
      %broadcast_in_dim3A_27 = vector.broadcast %broadcast_in_dim3A_26 : f32 to vector<3x100xf32>
      %swap3A_28 = arith.constant 0 : index
      %swap3A_29 = arith.constant 0 : index
      %swap3A_30 = vector.load %arg7[%swap3A_28, %swap3A_29] : memref<3x100xf32, #tpu.memory_space<vmem>>, vector<3x100xf32>
      tpu.vector_store %arg7[%swap3A_28, %swap3A_29], %broadcast_in_dim3A_27 {strides = array<i32>} : memref<3x100xf32, #tpu.memory_space<vmem>>, vector<3x100xf32>,
    } else {
    }
    %get3A = arith.constant 0 : index
    %get3A_2 = arith.constant 0 : index
    %get3A_3 = vector.load %arg1[%get3A, %get3A_2] : memref<2000x100xf32, #tpu.memory_space<vmem>>, vector<2000x100xf32>
    %get3A_4 = arith.constant 0 : index
    %get3A_5 = arith.constant 0 : index
    %get3A_6 = vector.load %arg2[%get3A_4, %get3A_5] : memref<2000x2xf32, #tpu.memory_space<vmem>>, vector<2000x2xf32>
    %get3A_7 = arith.constant 0 : index
    %get3A_8 = arith.constant 0 : index
    %get3A_9 = vector.load %arg7[%get3A_7, %get3A_8] : memref<3x100xf32, #tpu.memory_space<vmem>>, vector<1x100xf32>
    %reduce_sum3A = arith.constant dense<0.000000e+00> : vector<100xf32>
    %reduce_sum3A_10 = vector.multi_reduction <add>, %get3A_3, %reduce_sum3A [0] : vector<2000x100xf32> to vector<100xf32>
    %broadcast_in_dim3A = vector.shape_cast %reduce_sum3A_10 : vector<100xf32> to vector<1x100xf32>
    %add3A = arith.addf %get3A_9, %broadcast_in_dim3A : vector<1x100xf32>
    %swap3A = arith.constant 0 : index
    %swap3A_11 = arith.constant 0 : index
    %swap3A_12 = vector.load %arg7[%swap3A, %swap3A_11] : memref<3x100xf32, #tpu.memory_space<vmem>>, vector<1x100xf32>
    tpu.vector_store %arg7[%swap3A, %swap3A_11], %add3A {strides = array<i32>} : memref<3x100xf32, #tpu.memory_space<vmem>>, vector<1x100xf32>,
    %get3A_13 = arith.constant 1 : index
    %get3A_14 = arith.constant 0 : index
    %get3A_15 = vector.load %arg7[%get3A_13, %get3A_14] : memref<3x100xf32, #tpu.memory_space<vmem>>, vector<2x100xf32>
    %dot_general3A = arith.constant dense<0.000000e+00> : vector<2x100xf32>
    %dot_general3A_16 = tpu.matmul %get3A_6, %get3A_3, %dot_general3A {dimension_numbers = #tpu.dot_dimension_numbers<[0], [0], [1], [1], [0, 1, 1, 1], [], []>, transpose_lhs_hint = false} : vector<2000x2xf32>, vector<2000x100xf32>, vector<2x100xf32> -> vector<2x100xf32>
    %add3A_17 = arith.addf %get3A_15, %dot_general3A_16 : vector<2x100xf32>
    %swap3A_18 = arith.constant 1 : index
    %swap3A_19 = arith.constant 0 : index
    %swap3A_20 = vector.load %arg7[%swap3A_18, %swap3A_19] : memref<3x100xf32, #tpu.memory_space<vmem>>, vector<2x100xf32>
    tpu.vector_store %arg7[%swap3A_18, %swap3A_19], %add3A_17 {strides = array<i32>} : memref<3x100xf32, #tpu.memory_space<vmem>>, vector<2x100xf32>,
    %eq3A_21 = arith.constant 4 : i32
    %eq3A_22 = arith.cmpi eq, %arg0, %eq3A_21 : i32
    %convert_element_type3A_23 = arith.extui %eq3A_22 : i1 to i32
    %cond3A_24 = arith.constant 0 : i32
    %cond3A_25 = arith.cmpi ne, %convert_element_type3A_23, %cond3A_24 : i32
    scf.if %cond3A_25 {
      %get3A_26 = arith.constant 0 : index
      %get3A_27 = arith.constant 0 : index
      %get3A_28 = vector.load %arg7[%get3A_26, %get3A_27] : memref<3x100xf32, #tpu.memory_space<vmem>>, vector<3x100xf32>
      %slice3A = vector.extract_strided_slice %get3A_28 {offsets = [1, 0], sizes = [1, 100], strides = [1, 1]} : vector<3x100xf32> to vector<1x100xf32>
      %slice3A_29 = vector.extract_strided_slice %get3A_28 {offsets = [2, 0], sizes = [1, 100], strides = [1, 1]} : vector<3x100xf32> to vector<1x100xf32>
      %add3A_30 = arith.addf %slice3A, %slice3A_29 : vector<1x100xf32>
      %slice3A_31 = vector.extract_strided_slice %get3A_28 {offsets = [0, 0], sizes = [1, 100], strides = [1, 1]} : vector<3x100xf32> to vector<1x100xf32>
      %get3A_32 = arith.constant 0 : index
      %get3A_33 = arith.constant 0 : index
      %get3A_34 = vector.load %arg3[%get3A_32, %get3A_33] : memref<100x200xf32, #tpu.memory_space<vmem>>, vector<100x200xf32>
      %dot_general3A_35 = arith.constant dense<0.000000e+00> : vector<1x200xf32>
      %dot_general3A_36 = tpu.matmul %slice3A_31, %get3A_34, %dot_general3A_35 {dimension_numbers = #tpu.dot_dimension_numbers<[1], [0], [0], [1], [0, 0, 1, 1], [], []>, transpose_lhs_hint = false} : vector<1x100xf32>, vector<100x200xf32>, vector<1x200xf32> -> vector<1x200xf32>
      %get3A_37 = arith.constant 0 : index
      %get3A_38 = arith.constant 0 : index
      %get3A_39 = vector.load %arg4[%get3A_37, %get3A_38] : memref<100x200xf32, #tpu.memory_space<vmem>>, vector<100x200xf32>
      %dot_general3A_40 = arith.constant dense<0.000000e+00> : vector<1x200xf32>
      %dot_general3A_41 = tpu.matmul %add3A_30, %get3A_39, %dot_general3A_40 {dimension_numbers = #tpu.dot_dimension_numbers<[1], [0], [0], [1], [0, 0, 1, 1], [], []>, transpose_lhs_hint = false} : vector<1x100xf32>, vector<100x200xf32>, vector<1x200xf32> -> vector<1x200xf32>
      %add3A_42 = arith.addf %dot_general3A_36, %dot_general3A_41 : vector<1x200xf32>
      %mul3A = arith.constant 9.99999974E-5 : f32
      %mul3A_43 = vector.broadcast %mul3A : f32 to vector<1x200xf32>
      %mul3A_44 = arith.mulf %add3A_42, %mul3A_43 : vector<1x200xf32>
      %get3A_45 = arith.constant 0 : index
      %get3A_46 = arith.constant 0 : index
      %get3A_47 = vector.load %arg5[%get3A_45, %get3A_46] : memref<1x200xf32, #tpu.memory_space<vmem>>, vector<1x200xf32>
      %add3A_48 = arith.addf %mul3A_44, %get3A_47 : vector<1x200xf32>
      %swap3A_49 = arith.constant 0 : index
      %swap3A_50 = arith.constant 0 : index
      %swap3A_51 = vector.load %arg6[%swap3A_49, %swap3A_50] : memref<1x200xf32, #tpu.memory_space<vmem>>, vector<1x200xf32>
      tpu.vector_store %arg6[%swap3A_49, %swap3A_50], %add3A_48 {strides = array<i32>} : memref<1x200xf32, #tpu.memory_space<vmem>>, vector<1x200xf32>,
    } else {
    }
    return
  }
  func.func @transform_0(%arg0: i32) -> (i32, i32) {
    %c0_i32 = arith.constant 0 : i32
    %c0_i32_0 = arith.constant 0 : i32
    return %arg0, %c0_i32 : i32, i32
  }
  func.func @transform_1(%arg0: i32) -> (i32, i32) {
    %c0_i32 = arith.constant 0 : i32
    %c0_i32_0 = arith.constant 0 : i32
    return %arg0, %c0_i32 : i32, i32
  }
  func.func @transform_2(%arg0: i32) -> (i32, i32) {
    %c0_i32 = arith.constant 0 : i32
    %c0_i32_0 = arith.constant 0 : i32
    %c0_i32_1 = arith.constant 0 : i32
    return %c0_i32, %c0_i32_0 : i32, i32
  }
  func.func @transform_3(%arg0: i32) -> (i32, i32) {
    %c0_i32 = arith.constant 0 : i32
    %c0_i32_0 = arith.constant 0 : i32
    %c0_i32_1 = arith.constant 0 : i32
    return %c0_i32, %c0_i32_0 : i32, i32
  }
  func.func @transform_4(%arg0: i32) -> (i32, i32) {
    %c0_i32 = arith.constant 0 : i32
    %c0_i32_0 = arith.constant 0 : i32
    %c0_i32_1 = arith.constant 0 : i32
    return %c0_i32, %c0_i32_0 : i32, i32
  }
  func.func @transform_5(%arg0: i32) -> (i32, i32) {
    %c0_i32 = arith.constant 0 : i32
    %c0_i32_0 = arith.constant 0 : i32
    %c0_i32_1 = arith.constant 0 : i32
    return %c0_i32, %c0_i32_0 : i32, i32
  }
}

</mosaic_0001>

<sc_bundles>
// kernel: kernel.4.cloned.1.call-start
scs
__scs_entry_jumppad:
0x0: {  	(pc) =	sbr.rel $0x88, $3  }
0x1: {  	(tag) =	ssettag $0x0;
	lr =	simm.s32 $0x1  }
0x2: {  	[smem:$0x3F9C] =	sst lr;
	_ =	strace $0xD0000000  }
0x3: {  	_ = 	snop  }
0x4: {  	_ = 	snop  }
0x5: {  	_ = 	snop  }
0x6: {  	_ = 	snop  }
0x7: {  	_ = 	snop  }
__scs_overlays_trampoline_lowered:
0x8: {  	[smem:$0x3FAB] =	sst s0  }
0x9: {  	[smem:$0x3FAC] =	sst s1  }
0xa: {  	[smem:$0x3FAD] =	sst s2  }
0xb: {  	[smem:$0x3FAE] =	sst s3  }
0xc: {  	[smem:$0x3FAF] =	sst s4  }
0xd: {  	[smem:$0x3FB0] =	sst s5  }
0xe: {  	[smem:$0x3FB1] =	sst s6  }
0xf: {  	[smem:$0x3FB2] =	sst s7  }
0x10: {  	[smem:$0x3FB3] =	sst s8  }
0x11: {  	[smem:$0x3FB4] =	sst s9;
	s0 =	simm.s32 @!p0 $0x0  }
0x12: {  	s1 =	sld [smem:$0x3F9A];
	s0 =	simm.s32 @p0 $0x1  }
0x13: {  	[smem:$0x3FB5] =	sst s0;
	s0 =	simm.s32 @!p1 $0x0  }
0x14: {  	s2 =	sld [smem:$0x3F99];
	s0 =	simm.s32 @p1 $0x1  }
0x15: {  	[smem:$0x3FB6] =	sst s0;
	s0 =	simm.s32 @!p2 $0x0  }
0x16: {  	s3 =	sld [smem:$0x3FDB];
	s0 =	simm.s32 @p2 $0x1  }
0x17: {  	s4 =	simm.s32 $0x1BF5;
	[smem:$0x3FB8] =	sst s0  }
0x18: {  	s0 =	sld [smem:$0x3F9B];
	_ =	swait.ge [sflag:s4], $0x0  }
0x19: {  	s7 =	sld [smem:$0x3F9C]  }
0x1a: {  	s8 =	sadd.s32 $0xFFFFE003, lr  }
0x1b: {  	s9 =	sadd.s32 $0xFFFFFEF7, lr;
	s5 =	simm.s32 $0xFFFFFFFF;
	p2 =	slt.u32 s8, $0xFFFFF086  }
0x1c: {  	p1 =	slt.u32 s9, $0xF7A;
	s5 =	simm.s32 @!p2 $0x0  }
0x1d: {  	s5 =	simm.s32 @p1 $0x1;
	p0 =	seq.s32 s7, s2  }
0x1e: {  	s7 =	smul.u32 @!p0 $0xF7A, s2;
	p2 =	seq.s32 @!p0 s5, $0x0  }
0x1f: {  	s9 =	smul.u32 $0xF7A, s1;
	s8 =	simm.s32 @!p0 $0x1BF5;
	p2 =	por !p2, p0  }
0x20: {  	[sflag:s8] =	ssyncset.s32 @!p0 $0xFFFFF086;
	s6 =	sadd.s32 @!p0 s3, s7;
	s7 =	simm.s32 @!p0 $0x108  }
0x21: {  	s3 =	sadd.s32 s3, s9;
	s6 =	sadd.s32 @!p0 $0x88, s6;
	s7 =	simm.s32 @p2 $0x1082  }
0x22: {  	[simem:s7], [sflag:s8] =	dma.local @!p0 [hbm:s6], $0xF7A  }
0x23: {  	s9 =	sor.u32 $0xD0000000, s2;
	s6 =	simm.s32 $0x108;
	_ =	swait.ge @!p0 [sflag:s8], $0x0  }
0x24: {  	s3 =	sadd.s32 $0x88, s3;
	s6 =	simm.s32 @!p1 $0x1082;
	[sflag:s4] =	ssyncset.s32 $0xFFFFF086  }
0x25: {  	[simem:s6], [sflag:s4] =	dma.local [hbm:s3], $0xF7A  }
0x26: {  	[smem:$0x3F9C] =	sst s1;
	(tag) =	ssettag s2;
	_ =	strace s9  }
0x27: {  	s1 =	sld [smem:$0x3FAC]  }
0x28: {  	s2 =	sld [smem:$0x3FAD]  }
0x29: {  	s4 =	sld [smem:$0x3FAF]  }
0x2a: {  	p0 =	seq.s32 s5, $0x0;
	s5 =	sld [smem:$0x3FB0]  }
0x2b: {  	s6 =	sld [smem:$0x3FB1]  }
0x2c: {  	s7 =	sld [smem:$0x3FB2]  }
0x2d: {  	s3 =	simm.s32 $0x108;
	s8 =	sld [smem:$0x3FB3]  }
0x2e: {  	s3 =	simm.s32 @!p0 $0x1082;
	s9 =	sld [smem:$0x3FB4]  }
0x2f: {  	lr =	sadd.s32 s0, s3;
	s0 =	sld [smem:$0x3FAB]  }
0x30: {  	s3 =	sld [smem:$0x3FAE]  }
0x31: {  	[smem:$0x3FB7] =	sst s10  }
0x32: {  	s10 =	sld [smem:$0x3FB5];
	_ =	sdelay $0x3  }
0x33: {  	p0 =	seq.s32 s10, $0x1;
	s10 =	sld [smem:$0x3FB7];
	_ =	sdelay $0x3  }
0x34: {  	[smem:$0x3FB7] =	sst s10  }
0x35: {  	s10 =	sld [smem:$0x3FB6];
	_ =	sdelay $0x3  }
0x36: {  	p1 =	seq.s32 s10, $0x1;
	s10 =	sld [smem:$0x3FB7];
	_ =	sdelay $0x3  }
0x37: {  	[smem:$0x3FB7] =	sst s10  }
0x38: {  	s10 =	sld [smem:$0x3FB8]  }
0x39: {  	_ = 	snop;
	(pc) =	sbr.ind lr, $3  }
0x3a: {  	_ = 	snop  }
0x3b: {  	_ = 	snop  }
0x3c: {  	p2 =	seq.s32 s10, $0x1;
	s10 =	sld [smem:$0x3FB7]  }
0x3d: {  	_ =	shalt  }
0x3e: {  	_ =	shalt  }
0x3f: {  	_ =	shalt  }
0x40: {  	_ =	shalt  }
0x41: {  	_ =	shalt  }
0x42: {  	_ =	shalt  }
0x43: {  	_ =	shalt  }
0x44: {  	_ =	shalt  }
0x45: {  	_ =	shalt  }
0x46: {  	_ =	shalt  }
0x47: {  	_ =	shalt  }
0x48: {  	_ =	shalt  }
0x49: {  	_ =	shalt  }
0x4a: {  	_ =	shalt  }
0x4b: {  	_ =	shalt  }
0x4c: {  	_ =	shalt  }
0x4d: {  	_ =	shalt  }
0x4e: {  	_ =	shalt  }
0x4f: {  	_ =	shalt  }
0x50: {  	_ =	shalt  }
0x51: {  	_ =	shalt  }
0x52: {  	_ =	shalt  }
0x53: {  	_ =	shalt  }
0x54: {  	_ =	shalt  }
0x55: {  	_ =	shalt  }
0x56: {  	_ =	shalt  }
0x57: {  	_ =	shalt  }
0x58: {  	_ =	shalt  }
0x59: {  	_ =	shalt  }
0x5a: {  	_ =	shalt  }
0x5b: {  	_ =	shalt  }
0x5c: {  	_ =	shalt  }
0x5d: {  	_ =	shalt  }
0x5e: {  	_ =	shalt  }
0x5f: {  	_ =	shalt  }
0x60: {  	_ =	shalt  }
0x61: {  	_ =	shalt  }
0x62: {  	_ =	shalt  }
0x63: {  	_ =	shalt  }
0x64: {  	_ =	shalt  }
0x65: {  	_ =	shalt  }
0x66: {  	_ =	shalt  }
0x67: {  	_ =	shalt  }
0x68: {  	_ =	shalt  }
0x69: {  	_ =	shalt  }
0x6a: {  	_ =	shalt  }
0x6b: {  	_ =	shalt  }
0x6c: {  	_ =	shalt  }
0x6d: {  	_ =	shalt  }
0x6e: {  	_ =	shalt  }
0x6f: {  	_ =	shalt  }
0x70: {  	_ =	shalt  }
0x71: {  	_ =	shalt  }
0x72: {  	_ =	shalt  }
0x73: {  	_ =	shalt  }
0x74: {  	_ =	shalt  }
0x75: {  	_ =	shalt  }
0x76: {  	_ =	shalt  }
0x77: {  	_ =	shalt  }
0x78: {  	_ =	shalt  }
0x79: {  	_ =	shalt  }
0x7a: {  	_ =	shalt  }
0x7b: {  	_ =	shalt  }
0x7c: {  	_ =	shalt  }
0x7d: {  	_ =	shalt  }
0x7e: {  	_ =	shalt  }
0x7f: {  	_ =	shalt  }
0x80: {  	_ =	shalt  }
0x81: {  	_ =	shalt  }
0x82: {  	_ =	shalt  }
0x83: {  	_ =	shalt  }
0x84: {  	_ =	shalt  }
0x85: {  	_ =	shalt  }
0x86: {  	_ =	shalt  }
0x87: {  	_ =	shalt  }
.Lfunc_end0:
.L_simem_size_0:
called_computation_lowered:
.L_overlay_start_0:
0x88: {  	s2 =	sld [smem:$0x3FD9]  }
0x89: {  	s3 =	sld [smem:$0x3FFE];
	_ =	sdelay $0x1  }
0x8a: {  	s1 =	srdreg.scid  }
0x8b: {  	s0 =	sand.u32 $0x1, s1  }
0x8c: {  	s16 =	sshll.u32 s0, $0xA;
	s2 =	sadd.s32 s3, s2  }
0x8d: {  	s2 =	sadd.s32 s2, s16  }
0x8e: {  	[smem:$0x3FC3] =	sst s2  }
0x8f: {  	_ = 	snop  }
0x90: {  	(tm) =	ssettm $0x1  }
0x91: {  	s17 =	sld [smem:$0x3FFB];
	_ =	sdelay $0x3  }
0x92: {  	_ =	strace s17  }
0x93: {  	s2 =	sld [smem:$0x3FFC];
	_ =	sdelay $0x3  }
0x94: {  	_ =	strace s2  }
0x95: {  	s2 =	sld [smem:$0x3FFD];
	_ =	sdelay $0x3  }
0x96: {  	_ =	strace s2  }
0x97: {  	_ =	strace $0x8FFFFFFF  }
0x98: {  	s18 =	sld [smem:$0x3FDB];
	_ =	sdelay $0x1  }
0x99: {  	s19 =	simm.s32 $_scs_section_size  }
0x9a: {  	s4 =	simm.s32 $_size__tile_overlayer_lowered;
	s5 =	simm.s32 $_tile_overlayer_lowered  }
0x9b: {  	s22 =	simm.s32 $0x1BFF;
	s21 =	sshll.u32 s5, $0x1;
	s2 =	sadd.s32 s19, s18  }
0x9c: {  	s6 =	simm.s32 $0x0;
	s20 =	sshll.u32 s4, $0x1;
	s4 =	sadd.s32 s21, s2  }
0x9d: {  	[timem:s6], [sflag:s22] =	dma.local [hbm:s4], s20  }
0x9e: {  	_ =	swait.ge [sflag:s22], s20  }
0x9f: {  	s3 =	ssub.s32 $0x0, s20;
	[sflag:s22] =	ssyncset.done $0x0  }
0xa0: {  	[sflag:s22] =	ssyncadd.s32 s3;
	_ =	sdelay $0x1  }
0xa1: {  	s23 =	simm.s32 $0x1B8B  }
0xa2: {  	_ =	swait.ge [sflag:s23], $0x1  }
0xa3: {  	[sflag:s23] =	ssyncset.done $0x0  }
0xa4: {  	s25 =	simm.s32 $0x1B8E;
	s24 =	sld [smem:$0x3FFE];
	[sflag:s23] =	ssyncadd.s32 $0xFFFFFFFF  }
0xa5: {  	s26 =	simm.s32 $execute0_lowered;
	[smem:$0x3FD2] =	sst s25  }
0xa6: {  	s4 =	sshll.u32 s26, $0x1;
	_ =	strace $0x80000046;
	[dreg:$0x1] =	wrdreg $0xFFFFFFFF  }
0xa7: {  	s28 =	simm.s32 $_size_execute0_lowered;
	s2 =	sadd.s32 s2, s4;
	[dreg:$0x0] =	wrdreg $0x0  }
0xa8: {  	s4 =	sshll.u32 s28, $0x1;
	[dreg:$0x2] =	wrdreg s2  }
0xa9: {  	[dreg:$0x3] =	wrdreg s4  }
0xaa: {  	[dreg:$0x4] =	wrdreg $0xC0  }
0xab: {  	_ =	task [dreg:s6], $0x5FFFF  }
0xac: {  	[dreg:$0x1] =	wrdreg $0xFFFFFFFF  }
0xad: {  	[dreg:$0x0] =	wrdreg $0x60  }
0xae: {  	[dreg:$0x2] =	wrdreg s24  }
0xaf: {  	[dreg:$0x3] =	wrdreg $0x1B3000  }
0xb0: {  	[dreg:$0x4] =	wrdreg $0x1DB000  }
0xb1: {  	[dreg:$0x5] =	wrdreg $0x9  }
0xb2: {  	_ =	task.clear_ibuf [dreg:s6], $0x6FFFF;
	_ =	strace $0x90000046  }
0xb3: {  	s29 =	simm.s32 $0x9;
	_ =	strace $0x80000048  }
0xb4: {  	_ =	swait.ge [sflag:s29], $0x1  }
0xb5: {  	[sflag:s29] =	ssyncadd.s32 $0xFFFFFFFF  }
0xb6: {  	_ =	strace $0x90000048  }
0xb7: {  	_ =	sfence  }
0xb8: {  	s30 =	sld [smem:$0x0];
	_ =	sdelay $0x2  }
0xb9: {  	s31 =	sshll.u32 s1, $0xD;
	s1 =	sshrl.u32 s1, $0x2  }
0xba: {  	s3 =	sand.u32 $0x4000, s31;
	s1 =	sadd.s32 s1, s30  }
0xbb: {  	s0 =	sor.u32 s3, s0;
	s1 =	sshll.u32 s1, $0x11  }
0xbc: {  	s0 =	sor.u32 s1, s0  }
0xbd: {  	s0 =	sadd.s32 $0x8F2B, s0  }
0xbe: {  	[sflag:s0] =	ssyncadd.remote.s32 $0x1  }
0xbf: {  	_ =	sfence.sel $0xFFFF  }
0xc0: {  	[dreg:$0x0] =	wrdreg $0xFFFFFFFF;
	(pc) =	sbr.abs _section_cstart, $3  }
0xc1: {  	[dreg:$0x1] =	wrdreg $0xFFFFFFFF  }
0xc2: {  	_ =	task.clear_ibuf [dreg:s6], $0x2FFFF;
	_ =	strace $0x9FFFFFFF  }
0xc3: {  	(tm) =	ssettm $0x7FFFFFFF  }
tec
execute0_lowered:
.L_overlay_start_1:
0x0: {  	(tag) =	ssettag $0x1  }
0x1: {  	s0 =	rddreg [dreg:$0x0]  }
0x2: {  	s1 =	rddreg [dreg:$0x1]  }
0x3: {  	s11 =	rddreg [dreg:$0x2]  }
0x4: {  	s3 =	simm.s32 $0x0;
	s2 =	srdreg.scid;
	s10 =	stileid.u32  }
0x5: {  	s16 =	simm.s32 $0x1;
	s17 =	simm.s32 $0xEB00;
	s18 =	simm.s32 $0x80  }
0x6: {  	s19 =	simm.s32 $0x400;
	s20 =	simm.s32 $0x3;
	s21 =	simm.s32 $0x1400  }
0x7: {  	s22 =	simm.s32 $0x14000;
	s30 =	simm.s32 $0x0;
	[smem:$0x7FF] =	sst s3  }
0x8: {  	s2 =	sand.u32 $0x1, s2;
	s4 =	smul.u32 $0x500, s10;
	s6 =	sshll.u32 s10, $0x1  }
0x9: {  	s7 =	sadd.s32 $0x1200, s0;
	s8 =	smul.u32 $0x1388, s10;
	s26 =	sshrl.u32 s10, $0x3  }
0xa: {  	s28 =	sshll.u32 s10, $0x7;
	s29 =	smul.u32 $0x5000, s10;
	_ =	strace $0x80000047  }
0xb: {  	s5 =	sshll.u32 s2, $0x7;
	s23 =	sor.u32 s2, s6;
	s6 =	smul.u32 $0x50000, s26  }
0xc: {  	s24 =	ssub.s32 $0x2, s2;
	s2 =	smul.u32 $0x13880, s2;
	s26 =	simm.s32 $0x13B00  }
0xd: {  	s4 =	sor.u32 s5, s4;
	s5 =	smul.u32 $0x4E20, s23;
	s25 =	sshrl.u32 s24, $0x1  }
0xe: {  	s23 =	simm.s32 $0x16300;
	s4 =	sshrl.u32 s4, $0x3;
	s13 =	ssub.s32 s24, s25  }
0xf: {  	s9 =	sshrl.u32 s6, $0x2;
	s6 =	smul.u32 $0x280, s10;
	s31 =	sshrl.u32 s2, $0x2  }
0x10: {  	s24 =	simm.s32 $0x2;
	s25 =	simm.s32 $0x11300;
	s0 =	sadd.s32 s4, s0  }
0x11: {  	s5 =	sshrl.u32 s5, $0x3;
	s4 =	sadd.s32 s7, s8;
	s9 =	sadd.s32 s9, s1  }
0x12: {  	s8 =	sshrl.u32 s29, $0x2;
	s13 =	smax.u32 s13, $0x1;
	s14 =	sadd.s32 $0x50, s31  }
0x13: {  	s5 =	sadd.s32 s7, s5;
	s7 =	sand.u32 $0x380, s28;
	s8 =	sadd.s32 s8, s1  }
0x14: {  	s10 =	sadd.s32 $0xEB00, s6;
	s12 =	sadd.s32 $0x11300, s6;
	s5 =	sadd.s32 $0x13880, s5  }
0x15: {  	v0 =	vimm.f32 $0.0e+00;
	v1 =	vimm.f32 $1.000000000e+00;
	s7 =	sadd.s32 s7, s9;
	s9 =	sadd.s32 s6, s11;
	s11 =	sadd.s32 $0x28400, s0  }
.LBB2_1:
0x16: {  	[tilespmem:s3], [sflag:$0x1] =	stream.linear.gather [hbm4b:s4+s3], $0x9C40, $0x38;
	[tilespmem:$0x1DD80] =	vst v63  }
0x17: {  	s0 =	simm.s32 $0x9C80  }
0x18: {  	[tilespmem:s0], [sflag:$0x2] =	stream.linear.gather [hbm4b:s5+s3], $0x4E20, $0x38;
	[tilespmem:$0x1DD80] =	vst v63  }
0x19: {  	s1 =	simm.s32 $0x200;
	s0 =	simm.s32 $0x0  }
.LBB2_2:
0x1a: {  	p0 =	sne.s32 s1, $0x9E00;
	[tilespmem:s0+$0x13B70] =	vst v0  }
0x1b: {  	[tilespmem:s0+$0xEB00] =	vst v0  }
0x1c: {  	[tilespmem:s0+$0x11300] =	vst v0  }
0x1d: {  	[tilespmem:s0+$0x13B00] =	vst v0  }
0x1e: {  	[tilespmem:s0+$0xEB10] =	vst v0  }
0x1f: {  	[tilespmem:s0+$0x11310] =	vst v0  }
0x20: {  	[tilespmem:s0+$0x13B10] =	vst v0  }
0x21: {  	[tilespmem:s0+$0xEB20] =	vst v0  }
0x22: {  	[tilespmem:s0+$0x11320] =	vst v0  }
0x23: {  	[tilespmem:s0+$0x13B20] =	vst v0  }
0x24: {  	[tilespmem:s0+$0xEB30] =	vst v0  }
0x25: {  	[tilespmem:s0+$0x11330] =	vst v0  }
0x26: {  	[tilespmem:s0+$0x13B30] =	vst v0  }
0x27: {  	[tilespmem:s0+$0xEB40] =	vst v0  }
0x28: {  	[tilespmem:s0+$0x11340] =	vst v0  }
0x29: {  	[tilespmem:s0+$0x13B40] =	vst v0  }
0x2a: {  	[tilespmem:s0+$0xEB50] =	vst v0  }
0x2b: {  	[tilespmem:s0+$0x11350] =	vst v0  }
0x2c: {  	[tilespmem:s0+$0x13B50] =	vst v0  }
.Ltmp0:
0x2d: {  	[tilespmem:s0+$0xEB60] =	vst v0;
	(pc) =	sbr.rel @p0 .LBB2_2-.Ltmp0, $4  }
0x2e: {  	[tilespmem:s0+$0x11360] =	vst v0  }
0x2f: {  	[tilespmem:s0+$0x13B60] =	vst v0  }
0x30: {  	[tilespmem:s0+$0xEB70] =	vst v0  }
0x31: {  	[tilespmem:s0+$0x11370] =	vst v0;
	s0 =	sshra.s32 s1, $0x2;
	s1 =	sadd.s32 $0x200, s1  }
0x32: {  	[tilespmem:s0+$0x13B70] =	vst v0  }
0x33: {  	[tilespmem:s0+$0xEB00] =	vst v0  }
0x34: {  	[tilespmem:s0+$0x11300] =	vst v0  }
0x35: {  	[tilespmem:s0+$0x13B00] =	vst v0  }
0x36: {  	[tilespmem:s0+$0xEB10] =	vst v0  }
0x37: {  	[tilespmem:s0+$0x11310] =	vst v0  }
0x38: {  	[tilespmem:s0+$0x13B10] =	vst v0  }
0x39: {  	[tilespmem:s0+$0xEB20] =	vst v0  }
0x3a: {  	[tilespmem:s0+$0x11320] =	vst v0  }
0x3b: {  	[tilespmem:s0+$0x13B20] =	vst v0  }
0x3c: {  	[tilespmem:s0+$0xEB30] =	vst v0  }
0x3d: {  	[tilespmem:s0+$0x11330] =	vst v0  }
0x3e: {  	[tilespmem:s0+$0x13B30] =	vst v0  }
0x3f: {  	[tilespmem:s0+$0xEB40] =	vst v0  }
0x40: {  	[tilespmem:s0+$0x11340] =	vst v0  }
0x41: {  	[tilespmem:s0+$0x13B40] =	vst v0  }
0x42: {  	[tilespmem:s0+$0xEB50] =	vst v0  }
0x43: {  	[tilespmem:s0+$0x11350] =	vst v0  }
0x44: {  	[tilespmem:s0+$0x13B50] =	vst v0  }
0x45: {  	[tilespmem:s0+$0xEB60] =	vst v0  }
0x46: {  	[tilespmem:s0+$0x11360] =	vst v0  }
0x47: {  	[tilespmem:s0+$0x13B60] =	vst v0  }
0x48: {  	[tilespmem:s0+$0xEB70] =	vst v0  }
0x49: {  	[tilespmem:s0+$0x11370] =	vst v0  }
0x4a: {  	_ =	swait.ge [sflag:s16], $0x9C40  }
0x4b: {  	[sflag:s16] =	ssyncset.done $0x0  }
0x4c: {  	s1 =	simm.s32 $0x0;
	s0 =	simm.s32 $0x50;
	[sflag:s16] =	ssyncadd.s32 $0xFFFF63C0  }
0x4d: {  	s1 =	sand.u32 $0xFFE0, s1;
	v2 =	vld [tilespmem:s0+$0x40]  }
0x4e: {  	v3 =	vld [tilespmem:s1+$0x80]  }
0x4f: {  	v4 =	vld [tilespmem:s0+$0xFFFFFFB0]  }
0x50: {  	v5 =	vld [tilespmem:s0+$0xFFFFFFC0]  }
0x51: {  	v6 =	vld [tilespmem:s0+$0xFFFFFFD0]  }
0x52: {  	v7 =	vld [tilespmem:s0+$0xFFFFFFE0]  }
0x53: {  	v8 =	vld [tilespmem:s0+$0xFFFFFFF0]  }
0x54: {  	v9 =	vld [tilespmem:s0+$0x0]  }
0x55: {  	v10 =	vld [tilespmem:s0+$0x10]  }
0x56: {  	v11 =	vld [tilespmem:s0+$0x20]  }
0x57: {  	[tilespmem:v4+s17+$0x0] =	vst.idx.add.f32.msk $0xffff, v1  }
0x58: {  	[tilespmem:v5+s17+$0x0] =	vst.idx.add.f32.msk $0xffff, v1  }
0x59: {  	[tilespmem:v6+s17+$0x0] =	vst.idx.add.f32.msk $0xffff, v1  }
0x5a: {  	[tilespmem:v7+s17+$0x0] =	vst.idx.add.f32.msk $0xffff, v1  }
0x5b: {  	[tilespmem:v8+s17+$0x0] =	vst.idx.add.f32.msk $0xffff, v1  }
0x5c: {  	[tilespmem:v9+s17+$0x0] =	vst.idx.add.f32.msk $0xffff, v1  }
0x5d: {  	[tilespmem:v10+s17+$0x0] =	vst.idx.add.f32.msk $0xffff, v1  }
0x5e: {  	[tilespmem:v11+s17+$0x0] =	vst.idx.add.f32.msk $0xffff, v1  }
0x5f: {  	s1 =	simm.s32 $0xA0;
	[tilespmem:v3+s17+$0x0] =	vst.idx.add.f32.msk $0xffff, v1  }
.LBB2_4:
0x60: {  	p0 =	sne.s32 s1, $0x9BA0  }
0x61: {  	[tilespmem:v2+s17+$0x0] =	vst.idx.add.f32.msk $0xffff, v1;
	s0 =	sadd.s32 $0xA0, s0;
	s2 =	smov.u32 s1;
	s1 =	sadd.s32 $0xA0, s1  }
0x62: {  	s2 =	sand.u32 $0xFFE0, s2;
	v2 =	vld [tilespmem:s0+$0x40]  }
0x63: {  	v3 =	vld [tilespmem:s2+$0x80]  }
0x64: {  	v4 =	vld [tilespmem:s0+$0xFFFFFFB0]  }
0x65: {  	v5 =	vld [tilespmem:s0+$0xFFFFFFC0]  }
0x66: {  	v6 =	vld [tilespmem:s0+$0xFFFFFFD0]  }
0x67: {  	v7 =	vld [tilespmem:s0+$0xFFFFFFE0]  }
0x68: {  	v8 =	vld [tilespmem:s0+$0xFFFFFFF0]  }
0x69: {  	v9 =	vld [tilespmem:s0+$0x0]  }
0x6a: {  	v10 =	vld [tilespmem:s0+$0x10]  }
0x6b: {  	v11 =	vld [tilespmem:s0+$0x20]  }
0x6c: {  	[tilespmem:v4+s17+$0x0] =	vst.idx.add.f32.msk $0xffff, v1  }
0x6d: {  	[tilespmem:v5+s17+$0x0] =	vst.idx.add.f32.msk $0xffff, v1  }
0x6e: {  	[tilespmem:v6+s17+$0x0] =	vst.idx.add.f32.msk $0xffff, v1  }
0x6f: {  	[tilespmem:v7+s17+$0x0] =	vst.idx.add.f32.msk $0xffff, v1  }
.Ltmp1:
0x70: {  	[tilespmem:v8+s17+$0x0] =	vst.idx.add.f32.msk $0xffff, v1;
	(pc) =	sbr.rel @p0 .LBB2_4-.Ltmp1, $4  }
0x71: {  	[tilespmem:v9+s17+$0x0] =	vst.idx.add.f32.msk $0xffff, v1  }
0x72: {  	[tilespmem:v10+s17+$0x0] =	vst.idx.add.f32.msk $0xffff, v1  }
0x73: {  	[tilespmem:v11+s17+$0x0] =	vst.idx.add.f32.msk $0xffff, v1  }
0x74: {  	[tilespmem:v3+s17+$0x0] =	vst.idx.add.f32.msk $0xffff, v1  }
0x75: {  	_ =	sdelay $0x3  }
0x76: {  	[tilespmem:v2+s17+$0x0] =	vst.idx.add.f32.msk $0xffff, v1  }
0x77: {  	[spmem:s7] =	stream.strided.scatter [tilespmem:s17], [sflag:$0x3], $0x2800, s19, s18, $0x38;
	[tilespmem:$0x1DD80] =	vst v63  }
0x78: {  	_ =	swait.ge [sflag:s20], $0x2800  }
0x79: {  	[sflag:s20] =	ssyncset.done $0x0  }
0x7a: {  	[sflag:s20] =	ssyncadd.s32 $0xFFFFD800  }
0x7b: {  	[bflag:$0x0] =	sbarrier.arrive $0xFFFF  }
0x7c: {  	[tilespmem:s23], [sflag:$0x3] =	stream.strided.gather [spmem:s8], $0x2800, s22, s21, $0x38;
	[tilespmem:$0x1DD80] =	vst v63  }
0x7d: {  	s0 =	simm.s32 $0x0;
	s2 =	simm.s32 $0x10;
	_ =	swait.ge [sflag:s20], $0x2800  }
0x7e: {  	s31 =	sand.u32 $0x70, s0;
	s1 =	sand.u32 $0x1C00, s0;
	[sflag:s20] =	ssyncset.done $0x0  }
0x7f: {  	s15 =	sor.u32 s31, s1;
	s1 =	simm.s32 $0x0;
	[sflag:s20] =	ssyncadd.s32 $0xFFFFD800  }
.LBB2_6:
0x80: {  	p0 =	sne.s32 s2, $0x270;
	v2 =	vld [tilespmem:s15+$0x16380]  }
0x81: {  	v3 =	vld [tilespmem:s15+$0x16300];
	_ =	sdelay $0x1  }
0x82: {  	v4 =	vld [tilespmem:s15+$0x16400];
	_ =	sdelay $0x1  }
0x83: {  	v5 =	vld [tilespmem:s15+$0x16480]  }
0x84: {  	v2 =	vadd.f32 v2, v3  }
0x85: {  	v3 =	vld [tilespmem:s15+$0x16500]  }
0x86: {  	v2 =	vadd.f32 v4, v2  }
0x87: {  	v4 =	vld [tilespmem:s15+$0x16580]  }
0x88: {  	v2 =	vadd.f32 v5, v2  }
0x89: {  	s28 =	sor.u32 s1, s0;
	v5 =	vld [tilespmem:s15+$0x16600]  }
0x8a: {  	s28 =	sor.u32 $0x380, s28;
	v2 =	vadd.f32 v3, v2  }
0x8b: {  	v3 =	vld [tilespmem:s28+$0x16300]  }
0x8c: {  	v2 =	vadd.f32 v4, v2  }
0x8d: {  	v4 =	vld [tilespmem:s15+$0x17700]  }
0x8e: {  	v2 =	vadd.f32 v5, v2  }
0x8f: {  	v5 =	vld [tilespmem:s15+$0x17780]  }
0x90: {  	v2 =	vadd.f32 v3, v2  }
0x91: {  	v3 =	vld [tilespmem:s15+$0x17800]  }
0x92: {  	v2 =	vadd.f32 v4, v2  }
0x93: {  	v4 =	vld [tilespmem:s15+$0x17880]  }
0x94: {  	v2 =	vadd.f32 v5, v2  }
0x95: {  	v5 =	vld [tilespmem:s15+$0x17900]  }
0x96: {  	v2 =	vadd.f32 v3, v2  }
0x97: {  	v3 =	vld [tilespmem:s15+$0x17980]  }
0x98: {  	v2 =	vadd.f32 v4, v2  }
0x99: {  	v4 =	vld [tilespmem:s15+$0x17A00]  }
0x9a: {  	v2 =	vadd.f32 v5, v2  }
0x9b: {  	v5 =	vld [tilespmem:s15+$0x17A80]  }
0x9c: {  	v2 =	vadd.f32 v3, v2;
	_ =	sdelay $0x1  }
0x9d: {  	v2 =	vadd.f32 v4, v2;
	_ =	sdelay $0x1  }
0x9e: {  	v2 =	vadd.f32 v5, v2;
	_ =	sdelay $0x1  }
0x9f: {  	v3 =	vshrl.u32 v2, $0x1  }
0xa0: {  	v3 =	vsub.s32 $0x5F3759DF, v3  }
0xa1: {  	v4 =	vmul.f32 $-5.000000000e-01, v2;
	v5 =	vmul.f32 v3, v3;
	_ =	sdelay $0x1  }
0xa2: {  	v5 =	vmul.f32 v5, v4;
	_ =	sdelay $0x1  }
0xa3: {  	v5 =	vadd.f32 $1.500000000e+00, v5;
	_ =	sdelay $0x1  }
0xa4: {  	v3 =	vmul.f32 v3, v5;
	_ =	sdelay $0x1  }
0xa5: {  	v5 =	vmul.f32 v3, v3;
	_ =	sdelay $0x1  }
0xa6: {  	v5 =	vmul.f32 v5, v4;
	_ =	sdelay $0x1  }
0xa7: {  	v5 =	vadd.f32 $1.500000000e+00, v5;
	_ =	sdelay $0x1  }
0xa8: {  	v3 =	vmul.f32 v5, v3;
	_ =	sdelay $0x1  }
0xa9: {  	v5 =	vmul.f32 v3, v3;
	_ =	sdelay $0x1  }
0xaa: {  	v4 =	vmul.f32 v5, v4;
	_ =	sdelay $0x1  }
0xab: {  	v4 =	vadd.f32 $1.500000000e+00, v4  }
.Ltmp2:
0xac: {  	(pc) =	sbr.rel @p0 .LBB2_6-.Ltmp2, $4  }
0xad: {  	s15 =	sadd.s32 s0, s6;
	s0 =	smov.u32 s2;
	v3 =	vmul.f32 v4, v3  }
0xae: {  	s1 =	sadd.s32 $0x80, s1;
	s15 =	sand.u32 $0x7F80, s15;
	vm0 =	vgt.f32 v2, $0.0e+00  }
0xaf: {  	s28 =	sand.u32 $0x1C00, s1;
	s29 =	sor.u32 s31, s15;
	s31 =	sand.u32 $0x70, s2;
	v2 =	vnsel vm0, $0x0, v3  }
0xb0: {  	s2 =	sadd.s32 $0x10, s2;
	s15 =	sor.u32 s31, s28;
	[tilespmem:s29+$0xEB00] =	vst v2  }
0xb1: {  	v2 =	vld [tilespmem:s15+$0x16380]  }
0xb2: {  	v3 =	vld [tilespmem:s15+$0x16300];
	_ =	sdelay $0x1  }
0xb3: {  	v4 =	vld [tilespmem:s15+$0x16400];
	_ =	sdelay $0x1  }
0xb4: {  	v5 =	vld [tilespmem:s15+$0x16480]  }
0xb5: {  	v2 =	vadd.f32 v2, v3  }
0xb6: {  	v3 =	vld [tilespmem:s15+$0x16500]  }
0xb7: {  	v2 =	vadd.f32 v4, v2  }
0xb8: {  	v49 =	vld [tilespmem:s15+$0x16580]  }
0xb9: {  	v2 =	vadd.f32 v5, v2  }
0xba: {  	v50 =	vld [tilespmem:s15+$0x16600];
	s1 =	sor.u32 s1, s0  }
0xbb: {  	s1 =	sor.u32 $0x380, s1;
	v2 =	vadd.f32 v3, v2  }
0xbc: {  	v3 =	vld [tilespmem:s1+$0x16300]  }
0xbd: {  	v2 =	vadd.f32 v49, v2  }
0xbe: {  	v51 =	vld [tilespmem:s15+$0x17700]  }
0xbf: {  	v2 =	vadd.f32 v50, v2  }
0xc0: {  	v52 =	vld [tilespmem:s15+$0x17780]  }
0xc1: {  	v2 =	vadd.f32 v3, v2  }
0xc2: {  	v3 =	vld [tilespmem:s15+$0x17800]  }
0xc3: {  	v2 =	vadd.f32 v51, v2  }
0xc4: {  	v53 =	vld [tilespmem:s15+$0x17880]  }
0xc5: {  	v2 =	vadd.f32 v52, v2  }
0xc6: {  	v54 =	vld [tilespmem:s15+$0x17900]  }
0xc7: {  	v2 =	vadd.f32 v3, v2  }
0xc8: {  	v3 =	vld [tilespmem:s15+$0x17980]  }
0xc9: {  	v2 =	vadd.f32 v53, v2  }
0xca: {  	v55 =	vld [tilespmem:s15+$0x17A00]  }
0xcb: {  	v2 =	vadd.f32 v54, v2  }
0xcc: {  	v56 =	vld [tilespmem:s15+$0x17A80]  }
0xcd: {  	v2 =	vadd.f32 v3, v2;
	_ =	sdelay $0x1  }
0xce: {  	v2 =	vadd.f32 v55, v2;
	_ =	sdelay $0x1  }
0xcf: {  	v2 =	vadd.f32 v56, v2;
	_ =	sdelay $0x1  }
0xd0: {  	v3 =	vshrl.u32 v2, $0x1  }
0xd1: {  	v3 =	vsub.s32 $0x5F3759DF, v3  }
0xd2: {  	v57 =	vmul.f32 $-5.000000000e-01, v2;
	v58 =	vmul.f32 v3, v3;
	_ =	sdelay $0x1  }
0xd3: {  	v5 =	vmul.f32 v58, v57;
	_ =	sdelay $0x1  }
0xd4: {  	v5 =	vadd.f32 $1.500000000e+00, v5;
	_ =	sdelay $0x1  }
0xd5: {  	v3 =	vmul.f32 v3, v5;
	_ =	sdelay $0x1  }
0xd6: {  	v5 =	vmul.f32 v3, v3;
	_ =	sdelay $0x1  }
0xd7: {  	v5 =	vmul.f32 v5, v57;
	_ =	sdelay $0x1  }
0xd8: {  	v5 =	vadd.f32 $1.500000000e+00, v5;
	_ =	sdelay $0x1  }
0xd9: {  	v3 =	vmul.f32 v5, v3;
	_ =	sdelay $0x1  }
0xda: {  	v5 =	vmul.f32 v3, v3;
	_ =	sdelay $0x1  }
0xdb: {  	v4 =	vmul.f32 v5, v57;
	_ =	sdelay $0x1  }
0xdc: {  	v4 =	vadd.f32 $1.500000000e+00, v4;
	_ =	sdelay $0x1  }
0xdd: {  	s28 =	sadd.s32 s0, s6;
	v3 =	vmul.f32 v4, v3  }
0xde: {  	s0 =	sand.u32 $0x7F80, s28;
	vm0 =	vgt.f32 v2, $0.0e+00  }
0xdf: {  	s0 =	sor.u32 s31, s0;
	v2 =	vnsel vm0, $0x0, v3  }
0xe0: {  	[tilespmem:s0+$0xEB00] =	vst v2  }
0xe1: {  	[spmem:s9] =	stream.linear.scatter [tilespmem:s10], [sflag:$0x3], $0x280, $0x38;
	[tilespmem:$0x1DD80] =	vst v63  }
0xe2: {  	_ =	swait.ge [sflag:s20], $0x280  }
0xe3: {  	[sflag:s20] =	ssyncset.done $0x0  }
0xe4: {  	[sflag:s20] =	ssyncadd.s32 $0xFFFFFD80  }
0xe5: {  	[bflag:$0x0] =	sbarrier.arrive $0xFFFF  }
0xe6: {  	s29 =	rddreg [dreg:$0x2]  }
0xe7: {  	[tilespmem:s17], [sflag:$0x3] =	stream.linear.gather [spmem:s29], $0x2800, $0x38;
	[tilespmem:$0x1DD80] =	vst v63  }
0xe8: {  	_ =	swait.ge [sflag:s20], $0x2800  }
0xe9: {  	[sflag:s20] =	ssyncset.done $0x0  }
0xea: {  	[sflag:s20] =	ssyncadd.s32 $0xFFFFD800  }
0xeb: {  	_ =	swait.ge [sflag:s24], $0x4E20  }
0xec: {  	[sflag:s24] =	ssyncset.done $0x0  }
0xed: {  	[sflag:s24] =	ssyncadd.s32 $0xFFFFB1E0  }
0xee: {  	v2 =	vld [tilespmem:s14+$0x40]  }
0xef: {  	v3 =	vld [tilespmem:s14+$0x30]  }
0xf0: {  	v59 =	vld [tilespmem:s14+$0x20]  }
0xf1: {  	v60 =	vld [tilespmem:s14+$0x10]  }
0xf2: {  	v6 =	vld [tilespmem:s14+$0x0]  }
0xf3: {  	v7 =	vld [tilespmem:s14+$0xFFFFFFF0]  }
0xf4: {  	v8 =	vld [tilespmem:s14+$0xFFFFFFE0]  }
0xf5: {  	v9 =	vld [tilespmem:s14+$0xFFFFFFD0]  }
0xf6: {  	s0 =	simm.s32 $0x9CD0;
	v10 =	vld [tilespmem:s14+$0xFFFFFFC0]  }
0xf7: {  	v11 =	vld [tilespmem:s0+$0xFFFFFFD0]  }
0xf8: {  	v12 =	vld [tilespmem:s14+$0xFFFFFFB0]  }
0xf9: {  	v13 =	vld [tilespmem:s0+$0x40]  }
0xfa: {  	v14 =	vld [tilespmem:s0+$0x20]  }
0xfb: {  	v15 =	vld [tilespmem:s0+$0x10]  }
0xfc: {  	v16 =	vld [tilespmem:s0+$0x0]  }
0xfd: {  	v17 =	vld [tilespmem:s0+$0xFFFFFFF0]  }
0xfe: {  	s2 =	simm.s32 $0x0;
	s31 =	simm.s32 $0x80;
	v18 =	vld [tilespmem:s0+$0xFFFFFFB0]  }
0xff: {  	s2 =	sand.u32 $0x60, s2;
	s1 =	sand.u32 $0xFF80, s31;
	v19 =	vld [tilespmem:s0+$0xFFFFFFE0]  }
0x100: {  	s1 =	sor.u32 s2, s1;
	v20 =	vld [tilespmem:s0+$0xFFFFFFC0]  }
0x101: {  	v23 =	vld [tilespmem:s1+$0x9C80]  }
0x102: {  	v21 =	vld.idx.msk [tilespmem:v13+s17+$0x0], $0xffff  }
0x103: {  	v22 =	vld.idx.msk [tilespmem:v14+s17+$0x0], $0xffff  }
0x104: {  	v24 =	vld.idx.msk [tilespmem:v15+s17+$0x0], $0xffff  }
0x105: {  	v25 =	vld.idx.msk [tilespmem:v17+s17+$0x0], $0xffff  }
0x106: {  	v26 =	vld.idx.msk [tilespmem:v18+s17+$0x0], $0xffff  }
0x107: {  	vm0 =	veq.s32 v12, v18;
	v27 =	vld.idx.msk [tilespmem:v19+s17+$0x0], $0xffff  }
0x108: {  	v61 =	vld.idx.msk [tilespmem:v20+s17+$0x0], $0xffff  }
0x109: {  	vm1 =	veq.s32 v10, v20;
	v28 =	vld.idx.msk [tilespmem:v16+s17+$0x0], $0xffff  }
0x10a: {  	v62 =	vld.idx.msk [tilespmem:v11+s17+$0x0], $0xffff  }
0x10b: {  	vm2 =	veq.s32 v9, v11;
	v63 =	vld.idx.msk [tilespmem:v23+s17+$0x0], $0xffff  }
0x10c: {  	[tilespmem:v12+s25+$0x0] =	vst.idx.add.f32.msk $0xffff, v26  }
0x10d: {  	[tilespmem:v12+s26+$0x0] =	vst.idx.add.f32.msk vm0, v1;
	vm0 =	veq.s32 v8, v19  }
0x10e: {  	[tilespmem:v10+s25+$0x0] =	vst.idx.add.f32.msk $0xffff, v61  }
0x10f: {  	[tilespmem:v10+s26+$0x0] =	vst.idx.add.f32.msk vm1, v1;
	vm1 =	veq.s32 v7, v17  }
0x110: {  	[tilespmem:v9+s25+$0x0] =	vst.idx.add.f32.msk $0xffff, v62  }
0x111: {  	vm3 =	veq.s32 v6, v16;
	[tilespmem:v9+s26+$0x0] =	vst.idx.add.f32.msk vm2, v1  }
0x112: {  	[tilespmem:v8+s25+$0x0] =	vst.idx.add.f32.msk $0xffff, v27  }
0x113: {  	vm2 =	veq.s32 v60, v15;
	[tilespmem:v8+s26+$0x0] =	vst.idx.add.f32.msk vm0, v1  }
0x114: {  	[tilespmem:v7+s25+$0x0] =	vst.idx.add.f32.msk $0xffff, v25  }
0x115: {  	vm0 =	veq.s32 v59, v14;
	[tilespmem:v7+s26+$0x0] =	vst.idx.add.f32.msk vm1, v1  }
0x116: {  	[tilespmem:v6+s25+$0x0] =	vst.idx.add.f32.msk $0xffff, v28  }
0x117: {  	[tilespmem:v6+s26+$0x0] =	vst.idx.add.f32.msk vm3, v1  }
0x118: {  	[tilespmem:v60+s25+$0x0] =	vst.idx.add.f32.msk $0xffff, v24  }
0x119: {  	vm1 =	veq.s32 v3, v23;
	[tilespmem:v60+s26+$0x0] =	vst.idx.add.f32.msk vm2, v1  }
0x11a: {  	[tilespmem:v59+s25+$0x0] =	vst.idx.add.f32.msk $0xffff, v22  }
0x11b: {  	[tilespmem:v59+s26+$0x0] =	vst.idx.add.f32.msk vm0, v1;
	vm0 =	veq.s32 v2, v13;
	_ =	sdelay $0x2  }
0x11c: {  	[tilespmem:v3+s25+$0x0] =	vst.idx.add.f32.msk $0xffff, v63  }
0x11d: {  	[tilespmem:v3+s26+$0x0] =	vst.idx.add.f32.msk vm1, v1  }
0x11e: {  	s2 =	smov.u32 s14;
	s1 =	simm.s32 $0x120;
	[tilespmem:v2+s25+$0x0] =	vst.idx.add.f32.msk $0xffff, v21  }
.LBB2_8:
0x11f: {  	p0 =	sne.s32 s1, $0x4E00;
	[tilespmem:v2+s26+$0x0] =	vst.idx.add.f32.msk vm0, v1;
	s0 =	sadd.s32 $0xA0, s0;
	s2 =	sadd.s32 $0xA0, s2  }
0x120: {  	s15 =	smov.u32 s1;
	s1 =	sadd.s32 $0xA0, s1;
	v2 =	vld [tilespmem:s2+$0x40]  }
0x121: {  	v3 =	vld [tilespmem:s2+$0x30]  }
0x122: {  	v4 =	vld [tilespmem:s2+$0x20]  }
0x123: {  	v5 =	vld [tilespmem:s2+$0x10]  }
0x124: {  	v6 =	vld [tilespmem:s2+$0x0]  }
0x125: {  	v7 =	vld [tilespmem:s2+$0xFFFFFFF0]  }
0x126: {  	v8 =	vld [tilespmem:s2+$0xFFFFFFE0]  }
0x127: {  	v9 =	vld [tilespmem:s2+$0xFFFFFFD0]  }
0x128: {  	v10 =	vld [tilespmem:s2+$0xFFFFFFC0]  }
0x129: {  	v11 =	vld [tilespmem:s0+$0xFFFFFFD0]  }
0x12a: {  	v12 =	vld [tilespmem:s2+$0xFFFFFFB0]  }
0x12b: {  	v13 =	vld [tilespmem:s0+$0x40]  }
0x12c: {  	v14 =	vld [tilespmem:s0+$0x20]  }
0x12d: {  	v15 =	vld [tilespmem:s0+$0x10]  }
0x12e: {  	v16 =	vld [tilespmem:s0+$0x0]  }
0x12f: {  	v17 =	vld [tilespmem:s0+$0xFFFFFFF0]  }
0x130: {  	v18 =	vld [tilespmem:s0+$0xFFFFFFB0];
	vm0 =	veq.s32 v2, v13  }
0x131: {  	v19 =	vld [tilespmem:s0+$0xFFFFFFE0];
	vm1 =	veq.s32 v4, v14  }
0x132: {  	s28 =	sadd.s32 $0xFFFFFF80, s15;
	v20 =	vld [tilespmem:s0+$0xFFFFFFC0];
	vm2 =	veq.s32 v5, v15  }
0x133: {  	s15 =	sand.u32 $0xFF80, s15;
	s28 =	sand.u32 $0x60, s28;
	v13 =	vld.idx.msk [tilespmem:v13+s17+$0x0], $0xffff;
	vm3 =	veq.s32 v6, v16  }
0x134: {  	s15 =	sor.u32 s28, s15;
	v14 =	vld.idx.msk [tilespmem:v14+s17+$0x0], $0xffff  }
0x135: {  	v21 =	vld [tilespmem:s15+$0x9C80]  }
0x136: {  	v15 =	vld.idx.msk [tilespmem:v15+s17+$0x0], $0xffff  }
0x137: {  	v22 =	vld.idx.msk [tilespmem:v17+s17+$0x0], $0xffff  }
0x138: {  	v23 =	vld.idx.msk [tilespmem:v18+s17+$0x0], $0xffff  }
0x139: {  	vm5 =	veq.s32 v12, v18;
	v24 =	vld.idx.msk [tilespmem:v19+s17+$0x0], $0xffff  }
0x13a: {  	v18 =	vld.idx.msk [tilespmem:v20+s17+$0x0], $0xffff;
	vm4 =	veq.s32 v3, v21  }
0x13b: {  	vm6 =	veq.s32 v10, v20;
	v16 =	vld.idx.msk [tilespmem:v16+s17+$0x0], $0xffff  }
0x13c: {  	v20 =	vld.idx.msk [tilespmem:v11+s17+$0x0], $0xffff  }
0x13d: {  	vm7 =	veq.s32 v9, v11;
	v21 =	vld.idx.msk [tilespmem:v21+s17+$0x0], $0xffff  }
0x13e: {  	[tilespmem:v12+s25+$0x0] =	vst.idx.add.f32.msk $0xffff, v23  }
0x13f: {  	[tilespmem:v12+s26+$0x0] =	vst.idx.add.f32.msk vm5, v1;
	vm5 =	veq.s32 v8, v19  }
0x140: {  	[tilespmem:v10+s25+$0x0] =	vst.idx.add.f32.msk $0xffff, v18  }
0x141: {  	[tilespmem:v10+s26+$0x0] =	vst.idx.add.f32.msk vm6, v1;
	vm6 =	veq.s32 v7, v17  }
0x142: {  	[tilespmem:v9+s25+$0x0] =	vst.idx.add.f32.msk $0xffff, v20  }
0x143: {  	[tilespmem:v9+s26+$0x0] =	vst.idx.add.f32.msk vm7, v1  }
0x144: {  	[tilespmem:v8+s25+$0x0] =	vst.idx.add.f32.msk $0xffff, v24  }
0x145: {  	[tilespmem:v8+s26+$0x0] =	vst.idx.add.f32.msk vm5, v1  }
0x146: {  	[tilespmem:v7+s25+$0x0] =	vst.idx.add.f32.msk $0xffff, v22  }
0x147: {  	[tilespmem:v7+s26+$0x0] =	vst.idx.add.f32.msk vm6, v1  }
0x148: {  	[tilespmem:v6+s25+$0x0] =	vst.idx.add.f32.msk $0xffff, v16  }
0x149: {  	[tilespmem:v6+s26+$0x0] =	vst.idx.add.f32.msk vm3, v1  }
0x14a: {  	[tilespmem:v5+s25+$0x0] =	vst.idx.add.f32.msk $0xffff, v15  }
0x14b: {  	[tilespmem:v5+s26+$0x0] =	vst.idx.add.f32.msk vm2, v1  }
.Ltmp3:
0x14c: {  	[tilespmem:v4+s25+$0x0] =	vst.idx.add.f32.msk $0xffff, v14;
	(pc) =	sbr.rel @p0 .LBB2_8-.Ltmp3, $4  }
0x14d: {  	[tilespmem:v4+s26+$0x0] =	vst.idx.add.f32.msk vm1, v1  }
0x14e: {  	[tilespmem:v3+s25+$0x0] =	vst.idx.add.f32.msk $0xffff, v21  }
0x14f: {  	[tilespmem:v3+s26+$0x0] =	vst.idx.add.f32.msk vm4, v1  }
0x150: {  	[tilespmem:v2+s25+$0x0] =	vst.idx.add.f32.msk $0xffff, v13  }
0x151: {  	_ =	sdelay $0x4  }
0x152: {  	[tilespmem:v2+s26+$0x0] =	vst.idx.add.f32.msk vm0, v1  }
0x153: {  	[spmem:s7] =	stream.strided.scatter [tilespmem:s25], [sflag:$0x3], $0x2800, s19, s18, $0x38;
	[tilespmem:$0x1DD80] =	vst v63  }
0x154: {  	_ =	swait.ge [sflag:s20], $0x2800  }
0x155: {  	[sflag:s20] =	ssyncset.done $0x0  }
0x156: {  	[sflag:s20] =	ssyncadd.s32 $0xFFFFD800  }
0x157: {  	[bflag:$0x0] =	sbarrier.arrive $0xFFFF  }
0x158: {  	[tilespmem:s23], [sflag:$0x3] =	stream.strided.gather [spmem:s8], $0x2800, s22, s21, $0x38;
	[tilespmem:$0x1DD80] =	vst v63  }
0x159: {  	_ =	swait.ge [sflag:s20], $0x2800  }
0x15a: {  	[sflag:s20] =	ssyncset.done $0x0  }
0x15b: {  	[sflag:s20] =	ssyncadd.s32 $0xFFFFD800  }
0x15c: {  	[bflag:$0x0] =	sbarrier.arrive $0xFFFF  }
0x15d: {  	[spmem:s7] =	stream.strided.scatter [tilespmem:s26], [sflag:$0x3], $0x2800, s19, s18, $0x38;
	[tilespmem:$0x1DD80] =	vst v63  }
0x15e: {  	_ =	swait.ge [sflag:s20], $0x2800  }
0x15f: {  	[sflag:s20] =	ssyncset.done $0x0  }
0x160: {  	[sflag:s20] =	ssyncadd.s32 $0xFFFFD800  }
0x161: {  	s0 =	simm.s32 $0x18B00;
	[bflag:$0x0] =	sbarrier.arrive $0xFFFF  }
0x162: {  	[tilespmem:s0], [sflag:$0x3] =	stream.strided.gather [spmem:s8], $0x2800, s22, s21, $0x38;
	[tilespmem:$0x1DD80] =	vst v63  }
0x163: {  	s15 =	simm.s32 $0x10;
	s0 =	simm.s32 $0x0;
	_ =	swait.ge [sflag:s20], $0x2800  }
0x164: {  	s1 =	sand.u32 $0x70, s0;
	s2 =	sand.u32 $0x1C00, s0;
	[sflag:s20] =	ssyncset.done $0x0  }
0x165: {  	s31 =	sor.u32 s1, s2;
	s2 =	simm.s32 $0x0;
	[sflag:s20] =	ssyncadd.s32 $0xFFFFD800  }
.LBB2_10:
0x166: {  	p0 =	sne.s32 s15, $0x270;
	v2 =	vld [tilespmem:s31+$0x16380]  }
0x167: {  	v3 =	vld [tilespmem:s31+$0x16300]  }
0x168: {  	v4 =	vld [tilespmem:s31+$0x18B00]  }
0x169: {  	v5 =	vld [tilespmem:s31+$0x16400]  }
0x16a: {  	v6 =	vld [tilespmem:s31+$0x18B80]  }
0x16b: {  	v7 =	vld [tilespmem:s31+$0x16480]  }
0x16c: {  	v2 =	vadd.f32 v2, v3;
	v3 =	vld [tilespmem:s31+$0x18C00]  }
0x16d: {  	v8 =	vld [tilespmem:s31+$0x16500]  }
0x16e: {  	v2 =	vadd.f32 v5, v2;
	v5 =	vld [tilespmem:s31+$0x18C80]  }
0x16f: {  	v9 =	vld [tilespmem:s31+$0x16580]  }
0x170: {  	v4 =	vadd.f32 v6, v4;
	v2 =	vadd.f32 v7, v2;
	v6 =	vld [tilespmem:s31+$0x18D00]  }
0x171: {  	s28 =	sor.u32 s2, s0;
	v7 =	vld [tilespmem:s31+$0x16600]  }
0x172: {  	s28 =	sor.u32 $0x380, s28;
	v3 =	vadd.f32 v3, v4;
	v2 =	vadd.f32 v8, v2;
	v4 =	vld [tilespmem:s31+$0x18D80]  }
0x173: {  	v8 =	vld [tilespmem:s28+$0x16300]  }
0x174: {  	v3 =	vadd.f32 v5, v3;
	v2 =	vadd.f32 v9, v2;
	v5 =	vld [tilespmem:s31+$0x18E00]  }
0x175: {  	v9 =	vld [tilespmem:s31+$0x17700]  }
0x176: {  	v3 =	vadd.f32 v6, v3;
	v2 =	vadd.f32 v7, v2;
	v6 =	vld [tilespmem:s28+$0x18B00]  }
0x177: {  	v7 =	vld [tilespmem:s31+$0x17780]  }
0x178: {  	v3 =	vadd.f32 v4, v3;
	v2 =	vadd.f32 v8, v2;
	v4 =	vld [tilespmem:s31+$0x19F00]  }
0x179: {  	v8 =	vld [tilespmem:s31+$0x17800]  }
0x17a: {  	v3 =	vadd.f32 v5, v3;
	v2 =	vadd.f32 v9, v2;
	v5 =	vld [tilespmem:s31+$0x19F80]  }
0x17b: {  	v9 =	vld [tilespmem:s31+$0x17880]  }
0x17c: {  	v3 =	vadd.f32 v6, v3;
	v2 =	vadd.f32 v7, v2;
	v6 =	vld [tilespmem:s31+$0x1A000]  }
0x17d: {  	v7 =	vld [tilespmem:s31+$0x17900]  }
0x17e: {  	v3 =	vadd.f32 v4, v3;
	v2 =	vadd.f32 v8, v2;
	v4 =	vld [tilespmem:s31+$0x1A080]  }
0x17f: {  	v8 =	vld [tilespmem:s31+$0x17980]  }
0x180: {  	v3 =	vadd.f32 v5, v3;
	v2 =	vadd.f32 v9, v2;
	v5 =	vld [tilespmem:s31+$0x1A100]  }
0x181: {  	s28 =	sadd.s32 s0, s6;
	s0 =	smov.u32 s15;
	v9 =	vld [tilespmem:s31+$0x17A00]  }
0x182: {  	s28 =	sand.u32 $0x7F80, s28;
	v3 =	vadd.f32 v6, v3;
	v2 =	vadd.f32 v7, v2;
	v6 =	vld [tilespmem:s31+$0x1A180]  }
0x183: {  	s28 =	sor.u32 s1, s28;
	v7 =	vld [tilespmem:s31+$0x17A80]  }
0x184: {  	v3 =	vadd.f32 v4, v3;
	v2 =	vadd.f32 v8, v2;
	v4 =	vld [tilespmem:s28+$0xEB00]  }
0x185: {  	v8 =	vld [tilespmem:s31+$0x1A200]  }
0x186: {  	v3 =	vadd.f32 v5, v3;
	v2 =	vadd.f32 v9, v2  }
0x187: {  	v5 =	vld [tilespmem:s31+$0x1A280]  }
0x188: {  	v3 =	vadd.f32 v6, v3;
	v2 =	vadd.f32 v7, v2;
	_ =	sdelay $0x1  }
0x189: {  	v3 =	vadd.f32 v8, v3;
	v2 =	vmul.f32 v4, v2;
	_ =	sdelay $0x1  }
.Ltmp4:
0x18a: {  	v3 =	vadd.f32 v5, v3;
	v2 =	vsub.f32 $0.0e+00, v2;
	(pc) =	sbr.rel @p0 .LBB2_10-.Ltmp4, $4  }
0x18b: {  	_ = 	snop  }
0x18c: {  	s2 =	sadd.s32 $0x80, s2;
	v2 =	vsub.f32 v2, v3  }
0x18d: {  	s29 =	sand.u32 $0x1C00, s2;
	s1 =	sand.u32 $0x70, s15  }
0x18e: {  	s15 =	sadd.s32 $0x10, s15;
	s31 =	sor.u32 s1, s29;
	[tilespmem:s28+$0x11300] =	vst v2  }
0x18f: {  	v2 =	vld [tilespmem:s31+$0x16380]  }
0x190: {  	v3 =	vld [tilespmem:s31+$0x16300]  }
0x191: {  	v4 =	vld [tilespmem:s31+$0x18B00]  }
0x192: {  	v5 =	vld [tilespmem:s31+$0x16400]  }
0x193: {  	v6 =	vld [tilespmem:s31+$0x18B80]  }
0x194: {  	v7 =	vld [tilespmem:s31+$0x16480]  }
0x195: {  	v8 =	vld [tilespmem:s31+$0x16500];
	v2 =	vadd.f32 v2, v3  }
0x196: {  	v3 =	vld [tilespmem:s31+$0x18C00]  }
0x197: {  	v40 =	vld [tilespmem:s31+$0x18C80];
	v2 =	vadd.f32 v5, v2  }
0x198: {  	v9 =	vld [tilespmem:s31+$0x16580]  }
0x199: {  	v41 =	vld [tilespmem:s31+$0x18D00];
	v4 =	vadd.f32 v6, v4;
	v2 =	vadd.f32 v7, v2  }
0x19a: {  	v42 =	vld [tilespmem:s31+$0x16600];
	s2 =	sor.u32 s2, s0  }
0x19b: {  	v43 =	vld [tilespmem:s31+$0x18D80];
	s2 =	sor.u32 $0x380, s2;
	v3 =	vadd.f32 v3, v4;
	v2 =	vadd.f32 v8, v2  }
0x19c: {  	v44 =	vld [tilespmem:s2+$0x16300]  }
0x19d: {  	v45 =	vld [tilespmem:s31+$0x18E00];
	v3 =	vadd.f32 v40, v3;
	v2 =	vadd.f32 v9, v2  }
0x19e: {  	v46 =	vld [tilespmem:s31+$0x17700]  }
0x19f: {  	v48 =	vld [tilespmem:s31+$0x17780];
	v3 =	vadd.f32 v41, v3;
	v2 =	vadd.f32 v42, v2  }
0x1a0: {  	v47 =	vld [tilespmem:s2+$0x18B00]  }
0x1a1: {  	v49 =	vld [tilespmem:s31+$0x19F00];
	v3 =	vadd.f32 v43, v3;
	v2 =	vadd.f32 v44, v2  }
0x1a2: {  	v50 =	vld [tilespmem:s31+$0x17800]  }
0x1a3: {  	v51 =	vld [tilespmem:s31+$0x19F80];
	v3 =	vadd.f32 v45, v3;
	v2 =	vadd.f32 v46, v2  }
0x1a4: {  	v52 =	vld [tilespmem:s31+$0x17880]  }
0x1a5: {  	v53 =	vld [tilespmem:s31+$0x1A000];
	v3 =	vadd.f32 v47, v3;
	v2 =	vadd.f32 v48, v2  }
0x1a6: {  	v54 =	vld [tilespmem:s31+$0x17900]  }
0x1a7: {  	v55 =	vld [tilespmem:s31+$0x1A080];
	v3 =	vadd.f32 v49, v3;
	v2 =	vadd.f32 v50, v2  }
0x1a8: {  	v56 =	vld [tilespmem:s31+$0x17980]  }
0x1a9: {  	v57 =	vld [tilespmem:s31+$0x1A100];
	v3 =	vadd.f32 v51, v3;
	v2 =	vadd.f32 v52, v2  }
0x1aa: {  	v58 =	vld [tilespmem:s31+$0x17A00]  }
0x1ab: {  	s29 =	sadd.s32 s0, s6;
	v59 =	vld [tilespmem:s31+$0x1A180];
	v3 =	vadd.f32 v53, v3;
	v2 =	vadd.f32 v54, v2  }
0x1ac: {  	v60 =	vld [tilespmem:s31+$0x17A80];
	s0 =	sand.u32 $0x7F80, s29  }
0x1ad: {  	v62 =	vld [tilespmem:s31+$0x1A200];
	s0 =	sor.u32 s1, s0;
	v3 =	vadd.f32 v55, v3;
	v2 =	vadd.f32 v56, v2  }
0x1ae: {  	v61 =	vld [tilespmem:s0+$0xEB00]  }
0x1af: {  	v3 =	vadd.f32 v57, v3;
	v2 =	vadd.f32 v58, v2  }
0x1b0: {  	v63 =	vld [tilespmem:s31+$0x1A280]  }
0x1b1: {  	v3 =	vadd.f32 v59, v3;
	v2 =	vadd.f32 v60, v2;
	_ =	sdelay $0x1  }
0x1b2: {  	v3 =	vadd.f32 v62, v3;
	v2 =	vmul.f32 v61, v2;
	_ =	sdelay $0x1  }
0x1b3: {  	v3 =	vadd.f32 v63, v3;
	v2 =	vsub.f32 $0.0e+00, v2;
	_ =	sdelay $0x1  }
0x1b4: {  	s30 =	sadd.s32 $0x1, s30;
	v2 =	vsub.f32 v2, v3  }
0x1b5: {  	p0 =	sne.s32 s30, s13  }
.Ltmp5:
0x1b6: {  	s31 =	simm.s32 $0x100;
	[tilespmem:s0+$0x11300] =	vst v2;
	(pc) =	sbr.rel @p0 .LBB2_1-.Ltmp5, $4  }
0x1b7: {  	[hbm4b:s11+s18] =	stream.strided.scatter [tilespmem:s12], [sflag:$0x3], $0x280, s31, s18, $0x38;
	[tilespmem:$0x1DD80] =	vst v63  }
0x1b8: {  	_ =	swait.ge [sflag:s20], $0x280  }
0x1b9: {  	[sflag:s20] =	ssyncset.done $0x0  }
0x1ba: {  	[sflag:s20] =	ssyncadd.s32 $0xFFFFFD80  }
0x1bb: {  	_ =	sfence.sel $0x180000  }
0x1bc: {  	[bflag:$0x0] =	sbarrier.arrive $0xFFFF  }
0x1bd: {  	_ =	strace $0x90000047  }
0x1be: {  	s0 =	stileid.u32;
	[bflag:$0x2] =	sbarrier.arrive $0xFFFF  }
0x1bf: {  	p0 =	sne.s32 s0, $0x0;
	s0 =	rddreg [dreg:$0x3]  }
0x1c0: {  	s0 =	sadd.s32 @!p0 $0x100000, s0  }
0x1c1: {  	[sflag:s0] =	ssyncadd.tile.s32 @!p0 $0x1;
	_ =	shalt  }
.Lfunc_end2:
_tile_overlayer_lowered:
.L_overlay_start_2:
0x1c2: {  	(tag) =	ssettag $0x2  }
0x1c3: {  	s0 =	rddreg [dreg:$0x0];
	s2 =	stileid.u32  }
0x1c4: {  	s1 =	rddreg [dreg:$0x1];
	p0 =	sne.s32 s2, $0x0  }
0x1c5: {  	s3 =	rddreg [dreg:$0x2];
	[bflag:$0x3] =	sbarrier.arrive $0xFFFF;
	s2 =	simm.s32 @!p0 $0x1C03  }
0x1c6: {  	[timem:s3], [sflag:s2] =	dma.local @!p0 [hbm:s0], s1  }
0x1c7: {  	s0 =	simm.s32 @!p0 $0x3  }
0x1c8: {  	_ =	swait.ge @!p0 [sflag:s0], s1  }
0x1c9: {  	s1 =	ssub.s32 @!p0 $0x0, s1;
	[sflag:s0] =	ssyncset.done @!p0 $0x0  }
0x1ca: {  	[sflag:s0] =	ssyncadd.s32 @!p0 s1  }
0x1cb: {  	[bflag:$0x3] =	sbarrier.arrive $0xFFFF  }
0x1cc: {  	_ =	shalt  }

</sc_bundles>
